<compile_context>
chip_gen: v7x
topology: tpu7x:2x2x1
jax: 0.10.2.dev20260603
libtpu: 0.0.44.dev20260713+nightly
codegen_flags: <defaults>
</compile_context>

<pallas_src>
import functools

import jax
import jax.numpy as jnp
from jax import lax
from jax.experimental import pallas as pl
from jax.experimental.pallas import tpu as pltpu
from jax.experimental.pallas import tpu_sc as plsc

_LANES = 16
_CHUNK = 32
_NBUF = 5


def _sc_geometry():
    try:
        info = plsc.get_sparse_core_info()
        return int(info.num_cores), int(info.num_subcores)
    except Exception:
        return 2, 16


@functools.lru_cache(maxsize=None)
def _make_gather(n_rows, d_model, n_cores, n_subcores):
    n_workers = n_cores * n_subcores
    rows_per_worker = n_rows // n_workers
    n_chunks = rows_per_worker // _CHUNK
    mesh = plsc.VectorSubcoreMesh(core_axis_name="c", subcore_axis_name="s")

    @functools.partial(
        pl.kernel,
        mesh=mesh,
        out_type=jax.ShapeDtypeStruct((n_rows, d_model), jnp.float32),
        scratch_types=(
            [pltpu.VMEM((rows_per_worker,), jnp.int32)]
            + [pltpu.VMEM((_CHUNK, d_model), jnp.float32) for _ in range(_NBUF)]
            + [pltpu.VMEM((_LANES,), jnp.int32)]
            + [pltpu.SemaphoreType.DMA for _ in range(2 * _NBUF)]
        ),
    )
    def gather_kernel(table_hbm, seq_hbm, out_hbm, *scratch):
        idx_all = scratch[0]
        rows = scratch[1:1 + _NBUF]
        seq_v = scratch[1 + _NBUF]
        gsems = scratch[2 + _NBUF:2 + 2 * _NBUF]
        osems = scratch[2 + 2 * _NBUF:]
        wid = lax.axis_index("s") * n_cores + lax.axis_index("c")
        pltpu.sync_copy(seq_hbm, seq_v.at[pl.ds(0, 1)])
        off = seq_v[...][0] - n_rows
        lane = lax.iota(jnp.int32, _LANES)
        base0 = wid * rows_per_worker

        def run_pipeline(gather_start):
            gcp, ocp = {}, {}
            for c in range(min(_NBUF, n_chunks)):
                gcp[c] = gather_start(c)
            for c in range(n_chunks):
                b = c % _NBUF
                gcp[c].wait()
                ocp[c] = pltpu.async_copy(
                    rows[b], out_hbm.at[pl.ds(base0 + c * _CHUNK, _CHUNK)], osems[b])
                if c + _NBUF < n_chunks:
                    ocp[c].wait()
                    gcp[c + _NBUF] = gather_start(c + _NBUF)
            for c in range(max(0, n_chunks - _NBUF), n_chunks):
                ocp[c].wait()

        @pl.when(off == 0)
        def _fast_path():
            def linear_start(c):
                b = c % _NBUF
                return pltpu.async_copy(
                    table_hbm.at[pl.ds(base0 + c * _CHUNK, _CHUNK)], rows[b],
                    gsems[b])
            run_pipeline(linear_start)

        @pl.when(off != 0)
        def _general_path():
            for k in range(rows_per_worker // _LANES):
                pos = lane + (base0 + k * _LANES) + off
                pos = jnp.minimum(jnp.maximum(pos, 0), n_rows - 1)
                idx_all[pl.ds(k * _LANES, _LANES)] = pos

            def indirect_start(c):
                b = c % _NBUF
                return pltpu.async_copy(
                    table_hbm.at[idx_all.at[pl.ds(c * _CHUNK, _CHUNK)]], rows[b],
                    gsems[b])
            run_pipeline(indirect_start)

    return gather_kernel


def kernel(table, seq_len):
    n, d = table.shape
    nc, ns = _sc_geometry()
    seq_arr = jnp.asarray(seq_len, jnp.int32).reshape((1,))
    return _make_gather(n, d, nc, ns)(table, seq_arr)

# --- scband reference (transcript-rebuilt; emitter-appended) ---
"""Pipeline reference for scband-learned-absolute-position-embedding-3547642986752 (READ-ONLY COPY).

The authoritative reference and input builder live on the scoring server;
editing this copy changes nothing except your own understanding.
"""

import jax, jax.numpy as jnp
import numpy as np

BLOCK_SIZE = 8192
N_EMBD = 768

def setup_inputs(seed: int = 0) -> dict:
    key = jax.random.key(seed)
    # Learned position embedding table, sized per init_kwargs (block_size x n_embd)
    table = jax.random.normal(key, (BLOCK_SIZE, N_EMBD), dtype=jnp.float32) * 0.02
    return {"table": table, "seq_len": BLOCK_SIZE}

def reference(table, seq_len):
    # pos = torch.arange(0, seq_len); return embedding(pos)
    n = table.shape[0]
    offset = (jnp.asarray(seq_len, dtype=jnp.int32) - n)
    pos = jnp.arange(0, n, dtype=jnp.int32) + offset
    return jnp.take(table, pos, axis=0)

if __name__ == "__main__":
    import jax
    _d = setup_inputs()
    print(jax.jit(kernel)(*tuple(_d.values())))

</pallas_src>

<mosaic_0001>
#map = affine_map<(d0, d1) -> (0, 0)>
#map1 = affine_map<(d0, d1) -> (0)>
module attributes {stable_mosaic.version = 14 : i64} {
  func.func @gather_kernel(%arg0: i32, %arg1: i32, %arg2: memref<8192x768xf32, #tpu.memory_space<hbm>>, %arg3: memref<1xi32, #tpu.memory_space<hbm>>, %arg4: memref<8192x768xf32, #tpu.memory_space<hbm>>, %arg5: memref<256xi32, #tpu.memory_space<vmem>>, %arg6: memref<32x768xf32, #tpu.memory_space<vmem>>, %arg7: memref<32x768xf32, #tpu.memory_space<vmem>>, %arg8: memref<32x768xf32, #tpu.memory_space<vmem>>, %arg9: memref<32x768xf32, #tpu.memory_space<vmem>>, %arg10: memref<32x768xf32, #tpu.memory_space<vmem>>, %arg11: memref<16xi32, #tpu.memory_space<vmem>>, %arg12: memref<!tpu.dma_semaphore, #tpu.memory_space<semaphore_mem>>, %arg13: memref<!tpu.dma_semaphore, #tpu.memory_space<semaphore_mem>>, %arg14: memref<!tpu.dma_semaphore, #tpu.memory_space<semaphore_mem>>, %arg15: memref<!tpu.dma_semaphore, #tpu.memory_space<semaphore_mem>>, %arg16: memref<!tpu.dma_semaphore, #tpu.memory_space<semaphore_mem>>, %arg17: memref<!tpu.dma_semaphore, #tpu.memory_space<semaphore_mem>>, %arg18: memref<!tpu.dma_semaphore, #tpu.memory_space<semaphore_mem>>, %arg19: memref<!tpu.dma_semaphore, #tpu.memory_space<semaphore_mem>>, %arg20: memref<!tpu.dma_semaphore, #tpu.memory_space<semaphore_mem>>, %arg21: memref<!tpu.dma_semaphore, #tpu.memory_space<semaphore_mem>>) attributes {dimension_semantics = [#tpu.dimension_semantics<core_parallel>, #tpu.dimension_semantics<subcore_parallel>], iteration_bounds = array<i64: 2, 16>, scalar_prefetch = 0 : i64, scratch_operands = 17 : i64, tpu.core_type = #tpu.core_type<sc_vector_subcore>, window_params = [{transform_indices = #map}, {transform_indices = #map1}, {transform_indices = #map}]} {
    %mul3A = arith.constant 2 : i32
    %mul3A_0 = arith.muli %arg1, %mul3A : i32
    %add3A = arith.addi %mul3A_0, %arg0 : i32
    "tpu.region"() ({
      %run_scoped3A = tpu.sem_alloc : memref<!tpu.dma_semaphore, #tpu.memory_space<semaphore_mem>>
      %dma_start3A = arith.constant 0 : i32
      %dma_start3A_12 = tpu.memref_slice %arg11[%dma_start3A] : memref<16xi32, #tpu.memory_space<vmem>> -> memref<1xi32, #tpu.memory_space<vmem>>
      %dma_start3A_13 = arith.constant 0 : i32
      %dma_start3A_14 = tpu.memref_slice %arg11[%dma_start3A_13] : memref<16xi32, #tpu.memory_space<vmem>> -> memref<1xi32, #tpu.memory_space<vmem>>
      tpu.enqueue_dma source(%arg3 : memref<1xi32, #tpu.memory_space<hbm>>) target(%dma_start3A_14 : memref<1xi32, #tpu.memory_space<vmem>>) target_semaphore(%run_scoped3A : memref<!tpu.dma_semaphore, #tpu.memory_space<semaphore_mem>>)
      %dma_wait3A = arith.constant 0 : i32
      %dma_wait3A_15 = tpu.memref_slice %arg11[%dma_wait3A] : memref<16xi32, #tpu.memory_space<vmem>> -> memref<1xi32, #tpu.memory_space<vmem>>
      %dma_wait3A_16 = arith.constant 0 : i32
      %dma_wait3A_17 = tpu.memref_slice %arg11[%dma_wait3A_16] : memref<16xi32, #tpu.memory_space<vmem>> -> memref<1xi32, #tpu.memory_space<vmem>>
      tpu.wait_dma2 semaphore(%run_scoped3A : memref<!tpu.dma_semaphore, #tpu.memory_space<semaphore_mem>>) src(%arg3 : memref<1xi32, #tpu.memory_space<hbm>>) dst(%dma_wait3A_17 : memref<1xi32, #tpu.memory_space<vmem>>)
      tpu.yield
    }) : () -> ()
    %get3A = arith.constant 0 : index
    %get3A_1 = tpu.vector_load %arg11[%get3A] {strides = array<i32>} : memref<16xi32, #tpu.memory_space<vmem>>, vector<16xi32>,
    %get3A_2 = vector.shape_cast %get3A_1 : vector<16xi32> to vector<16xi32>
    %slice3A = vector.extract_strided_slice %get3A_2 {offsets = [0], sizes = [1], strides = [1]} : vector<16xi32> to vector<1xi32>
    %squeeze3A = vector.extract %slice3A[0] : i32 from vector<1xi32>
    %sub3A = arith.constant 8192 : i32
    %sub3A_3 = arith.subi %squeeze3A, %sub3A : i32
    %iota3A = tpu.iota {dimensions = array<i32: 0>} : vector<16xi32>
    %mul3A_4 = arith.constant 256 : i32
    %mul3A_5 = arith.muli %add3A, %mul3A_4 : i32
    %eq3A = arith.constant 0 : i32
    %eq3A_6 = arith.cmpi eq, %sub3A_3, %eq3A : i32
    %convert_element_type3A = arith.extui %eq3A_6 : i1 to i32
    %cond3A = arith.constant 0 : i32
    %cond3A_7 = arith.cmpi ne, %convert_element_type3A, %cond3A : i32
    scf.if %cond3A_7 {
      %add3A_12 = arith.constant 0 : i32
      %add3A_13 = arith.addi %mul3A_5, %add3A_12 : i32
      %dma_start3A = arith.constant 0 : i32
      %dma_start3A_14 = tpu.memref_slice %arg2[%add3A_13, %dma_start3A] : memref<8192x768xf32, #tpu.memory_space<hbm>> -> memref<32x768xf32, #tpu.memory_space<hbm>>
      %dma_start3A_15 = arith.constant 0 : i32
      %dma_start3A_16 = tpu.memref_slice %arg2[%add3A_13, %dma_start3A_15] : memref<8192x768xf32, #tpu.memory_space<hbm>> -> memref<32x768xf32, #tpu.memory_space<hbm>>
      tpu.enqueue_dma source(%dma_start3A_16 : memref<32x768xf32, #tpu.memory_space<hbm>>) target(%arg6 : memref<32x768xf32, #tpu.memory_space<vmem>>) target_semaphore(%arg12 : memref<!tpu.dma_semaphore, #tpu.memory_space<semaphore_mem>>)
      %add3A_17 = arith.constant 32 : i32
      %add3A_18 = arith.addi %mul3A_5, %add3A_17 : i32
      %dma_start3A_19 = arith.constant 0 : i32
      %dma_start3A_20 = tpu.memref_slice %arg2[%add3A_18, %dma_start3A_19] : memref<8192x768xf32, #tpu.memory_space<hbm>> -> memref<32x768xf32, #tpu.memory_space<hbm>>
      %dma_start3A_21 = arith.constant 0 : i32
      %dma_start3A_22 = tpu.memref_slice %arg2[%add3A_18, %dma_start3A_21] : memref<8192x768xf32, #tpu.memory_space<hbm>> -> memref<32x768xf32, #tpu.memory_space<hbm>>
      tpu.enqueue_dma source(%dma_start3A_22 : memref<32x768xf32, #tpu.memory_space<hbm>>) target(%arg7 : memref<32x768xf32, #tpu.memory_space<vmem>>) target_semaphore(%arg13 : memref<!tpu.dma_semaphore, #tpu.memory_space<semaphore_mem>>)
      %add3A_23 = arith.constant 64 : i32
      %add3A_24 = arith.addi %mul3A_5, %add3A_23 : i32
      %dma_start3A_25 = arith.constant 0 : i32
      %dma_start3A_26 = tpu.memref_slice %arg2[%add3A_24, %dma_start3A_25] : memref<8192x768xf32, #tpu.memory_space<hbm>> -> memref<32x768xf32, #tpu.memory_space<hbm>>
      %dma_start3A_27 = arith.constant 0 : i32
      %dma_start3A_28 = tpu.memref_slice %arg2[%add3A_24, %dma_start3A_27] : memref<8192x768xf32, #tpu.memory_space<hbm>> -> memref<32x768xf32, #tpu.memory_space<hbm>>
      tpu.enqueue_dma source(%dma_start3A_28 : memref<32x768xf32, #tpu.memory_space<hbm>>) target(%arg8 : memref<32x768xf32, #tpu.memory_space<vmem>>) target_semaphore(%arg14 : memref<!tpu.dma_semaphore, #tpu.memory_space<semaphore_mem>>)
      %add3A_29 = arith.constant 96 : i32
      %add3A_30 = arith.addi %mul3A_5, %add3A_29 : i32
      %dma_start3A_31 = arith.constant 0 : i32
      %dma_start3A_32 = tpu.memref_slice %arg2[%add3A_30, %dma_start3A_31] : memref<8192x768xf32, #tpu.memory_space<hbm>> -> memref<32x768xf32, #tpu.memory_space<hbm>>
      %dma_start3A_33 = arith.constant 0 : i32
      %dma_start3A_34 = tpu.memref_slice %arg2[%add3A_30, %dma_start3A_33] : memref<8192x768xf32, #tpu.memory_space<hbm>> -> memref<32x768xf32, #tpu.memory_space<hbm>>
      tpu.enqueue_dma source(%dma_start3A_34 : memref<32x768xf32, #tpu.memory_space<hbm>>) target(%arg9 : memref<32x768xf32, #tpu.memory_space<vmem>>) target_semaphore(%arg15 : memref<!tpu.dma_semaphore, #tpu.memory_space<semaphore_mem>>)
      %add3A_35 = arith.constant 128 : i32
      %add3A_36 = arith.addi %mul3A_5, %add3A_35 : i32
      %dma_start3A_37 = arith.constant 0 : i32
      %dma_start3A_38 = tpu.memref_slice %arg2[%add3A_36, %dma_start3A_37] : memref<8192x768xf32, #tpu.memory_space<hbm>> -> memref<32x768xf32, #tpu.memory_space<hbm>>
      %dma_start3A_39 = arith.constant 0 : i32
      %dma_start3A_40 = tpu.memref_slice %arg2[%add3A_36, %dma_start3A_39] : memref<8192x768xf32, #tpu.memory_space<hbm>> -> memref<32x768xf32, #tpu.memory_space<hbm>>
      tpu.enqueue_dma source(%dma_start3A_40 : memref<32x768xf32, #tpu.memory_space<hbm>>) target(%arg10 : memref<32x768xf32, #tpu.memory_space<vmem>>) target_semaphore(%arg16 : memref<!tpu.dma_semaphore, #tpu.memory_space<semaphore_mem>>)
      %dma_wait3A = arith.constant 0 : i32
      %dma_wait3A_41 = tpu.memref_slice %arg2[%add3A_13, %dma_wait3A] : memref<8192x768xf32, #tpu.memory_space<hbm>> -> memref<32x768xf32, #tpu.memory_space<hbm>>
      %dma_wait3A_42 = arith.constant 0 : i32
      %dma_wait3A_43 = tpu.memref_slice %arg2[%add3A_13, %dma_wait3A_42] : memref<8192x768xf32, #tpu.memory_space<hbm>> -> memref<32x768xf32, #tpu.memory_space<hbm>>
      tpu.wait_dma2 semaphore(%arg12 : memref<!tpu.dma_semaphore, #tpu.memory_space<semaphore_mem>>) src(%dma_wait3A_43 : memref<32x768xf32, #tpu.memory_space<hbm>>) dst(%arg6 : memref<32x768xf32, #tpu.memory_space<vmem>>)
      %add3A_44 = arith.constant 0 : i32
      %add3A_45 = arith.addi %mul3A_5, %add3A_44 : i32
      %dma_start3A_46 = arith.constant 0 : i32
      %dma_start3A_47 = tpu.memref_slice %arg4[%add3A_45, %dma_start3A_46] : memref<8192x768xf32, #tpu.memory_space<hbm>> -> memref<32x768xf32, #tpu.memory_space<hbm>>
      %dma_start3A_48 = arith.constant 0 : i32
      %dma_start3A_49 = tpu.memref_slice %arg4[%add3A_45, %dma_start3A_48] : memref<8192x768xf32, #tpu.memory_space<hbm>> -> memref<32x768xf32, #tpu.memory_space<hbm>>
      tpu.enqueue_dma source(%arg6 : memref<32x768xf32, #tpu.memory_space<vmem>>) target(%dma_start3A_49 : memref<32x768xf32, #tpu.memory_space<hbm>>) target_semaphore(%arg17 : memref<!tpu.dma_semaphore, #tpu.memory_space<semaphore_mem>>)
      %dma_wait3A_50 = arith.constant 0 : i32
      %dma_wait3A_51 = tpu.memref_slice %arg4[%add3A_45, %dma_wait3A_50] : memref<8192x768xf32, #tpu.memory_space<hbm>> -> memref<32x768xf32, #tpu.memory_space<hbm>>
      %dma_wait3A_52 = arith.constant 0 : i32
      %dma_wait3A_53 = tpu.memref_slice %arg4[%add3A_45, %dma_wait3A_52] : memref<8192x768xf32, #tpu.memory_space<hbm>> -> memref<32x768xf32, #tpu.memory_space<hbm>>
      tpu.wait_dma2 semaphore(%arg17 : memref<!tpu.dma_semaphore, #tpu.memory_space<semaphore_mem>>) src(%arg6 : memref<32x768xf32, #tpu.memory_space<vmem>>) dst(%dma_wait3A_53 : memref<32x768xf32, #tpu.memory_space<hbm>>)
      %add3A_54 = arith.constant 160 : i32
      %add3A_55 = arith.addi %mul3A_5, %add3A_54 : i32
      %dma_start3A_56 = arith.constant 0 : i32
      %dma_start3A_57 = tpu.memref_slice %arg2[%add3A_55, %dma_start3A_56] : memref<8192x768xf32, #tpu.memory_space<hbm>> -> memref<32x768xf32, #tpu.memory_space<hbm>>
      %dma_start3A_58 = arith.constant 0 : i32
      %dma_start3A_59 = tpu.memref_slice %arg2[%add3A_55, %dma_start3A_58] : memref<8192x768xf32, #tpu.memory_space<hbm>> -> memref<32x768xf32, #tpu.memory_space<hbm>>
      tpu.enqueue_dma source(%dma_start3A_59 : memref<32x768xf32, #tpu.memory_space<hbm>>) target(%arg6 : memref<32x768xf32, #tpu.memory_space<vmem>>) target_semaphore(%arg12 : memref<!tpu.dma_semaphore, #tpu.memory_space<semaphore_mem>>)
      %dma_wait3A_60 = arith.constant 0 : i32
      %dma_wait3A_61 = tpu.memref_slice %arg2[%add3A_18, %dma_wait3A_60] : memref<8192x768xf32, #tpu.memory_space<hbm>> -> memref<32x768xf32, #tpu.memory_space<hbm>>
      %dma_wait3A_62 = arith.constant 0 : i32
      %dma_wait3A_63 = tpu.memref_slice %arg2[%add3A_18, %dma_wait3A_62] : memref<8192x768xf32, #tpu.memory_space<hbm>> -> memref<32x768xf32, #tpu.memory_space<hbm>>
      tpu.wait_dma2 semaphore(%arg13 : memref<!tpu.dma_semaphore, #tpu.memory_space<semaphore_mem>>) src(%dma_wait3A_63 : memref<32x768xf32, #tpu.memory_space<hbm>>) dst(%arg7 : memref<32x768xf32, #tpu.memory_space<vmem>>)
      %add3A_64 = arith.constant 32 : i32
      %add3A_65 = arith.addi %mul3A_5, %add3A_64 : i32
      %dma_start3A_66 = arith.constant 0 : i32
      %dma_start3A_67 = tpu.memref_slice %arg4[%add3A_65, %dma_start3A_66] : memref<8192x768xf32, #tpu.memory_space<hbm>> -> memref<32x768xf32, #tpu.memory_space<hbm>>
      %dma_start3A_68 = arith.constant 0 : i32
      %dma_start3A_69 = tpu.memref_slice %arg4[%add3A_65, %dma_start3A_68] : memref<8192x768xf32, #tpu.memory_space<hbm>> -> memref<32x768xf32, #tpu.memory_space<hbm>>
      tpu.enqueue_dma source(%arg7 : memref<32x768xf32, #tpu.memory_space<vmem>>) target(%dma_start3A_69 : memref<32x768xf32, #tpu.memory_space<hbm>>) target_semaphore(%arg18 : memref<!tpu.dma_semaphore, #tpu.memory_space<semaphore_mem>>)
      %dma_wait3A_70 = arith.constant 0 : i32
      %dma_wait3A_71 = tpu.memref_slice %arg4[%add3A_65, %dma_wait3A_70] : memref<8192x768xf32, #tpu.memory_space<hbm>> -> memref<32x768xf32, #tpu.memory_space<hbm>>
      %dma_wait3A_72 = arith.constant 0 : i32
      %dma_wait3A_73 = tpu.memref_slice %arg4[%add3A_65, %dma_wait3A_72] : memref<8192x768xf32, #tpu.memory_space<hbm>> -> memref<32x768xf32, #tpu.memory_space<hbm>>
      tpu.wait_dma2 semaphore(%arg18 : memref<!tpu.dma_semaphore, #tpu.memory_space<semaphore_mem>>) src(%arg7 : memref<32x768xf32, #tpu.memory_space<vmem>>) dst(%dma_wait3A_73 : memref<32x768xf32, #tpu.memory_space<hbm>>)
      %add3A_74 = arith.constant 192 : i32
      %add3A_75 = arith.addi %mul3A_5, %add3A_74 : i32
      %dma_start3A_76 = arith.constant 0 : i32
      %dma_start3A_77 = tpu.memref_slice %arg2[%add3A_75, %dma_start3A_76] : memref<8192x768xf32, #tpu.memory_space<hbm>> -> memref<32x768xf32, #tpu.memory_space<hbm>>
      %dma_start3A_78 = arith.constant 0 : i32
      %dma_start3A_79 = tpu.memref_slice %arg2[%add3A_75, %dma_start3A_78] : memref<8192x768xf32, #tpu.memory_space<hbm>> -> memref<32x768xf32, #tpu.memory_space<hbm>>
      tpu.enqueue_dma source(%dma_start3A_79 : memref<32x768xf32, #tpu.memory_space<hbm>>) target(%arg7 : memref<32x768xf32, #tpu.memory_space<vmem>>) target_semaphore(%arg13 : memref<!tpu.dma_semaphore, #tpu.memory_space<semaphore_mem>>)
      %dma_wait3A_80 = arith.constant 0 : i32
      %dma_wait3A_81 = tpu.memref_slice %arg2[%add3A_24, %dma_wait3A_80] : memref<8192x768xf32, #tpu.memory_space<hbm>> -> memref<32x768xf32, #tpu.memory_space<hbm>>
      %dma_wait3A_82 = arith.constant 0 : i32
      %dma_wait3A_83 = tpu.memref_slice %arg2[%add3A_24, %dma_wait3A_82] : memref<8192x768xf32, #tpu.memory_space<hbm>> -> memref<32x768xf32, #tpu.memory_space<hbm>>
      tpu.wait_dma2 semaphore(%arg14 : memref<!tpu.dma_semaphore, #tpu.memory_space<semaphore_mem>>) src(%dma_wait3A_83 : memref<32x768xf32, #tpu.memory_space<hbm>>) dst(%arg8 : memref<32x768xf32, #tpu.memory_space<vmem>>)
      %add3A_84 = arith.constant 64 : i32
      %add3A_85 = arith.addi %mul3A_5, %add3A_84 : i32
      %dma_start3A_86 = arith.constant 0 : i32
      %dma_start3A_87 = tpu.memref_slice %arg4[%add3A_85, %dma_start3A_86] : memref<8192x768xf32, #tpu.memory_space<hbm>> -> memref<32x768xf32, #tpu.memory_space<hbm>>
      %dma_start3A_88 = arith.constant 0 : i32
      %dma_start3A_89 = tpu.memref_slice %arg4[%add3A_85, %dma_start3A_88] : memref<8192x768xf32, #tpu.memory_space<hbm>> -> memref<32x768xf32, #tpu.memory_space<hbm>>
      tpu.enqueue_dma source(%arg8 : memref<32x768xf32, #tpu.memory_space<vmem>>) target(%dma_start3A_89 : memref<32x768xf32, #tpu.memory_space<hbm>>) target_semaphore(%arg19 : memref<!tpu.dma_semaphore, #tpu.memory_space<semaphore_mem>>)
      %dma_wait3A_90 = arith.constant 0 : i32
      %dma_wait3A_91 = tpu.memref_slice %arg4[%add3A_85, %dma_wait3A_90] : memref<8192x768xf32, #tpu.memory_space<hbm>> -> memref<32x768xf32, #tpu.memory_space<hbm>>
      %dma_wait3A_92 = arith.constant 0 : i32
      %dma_wait3A_93 = tpu.memref_slice %arg4[%add3A_85, %dma_wait3A_92] : memref<8192x768xf32, #tpu.memory_space<hbm>> -> memref<32x768xf32, #tpu.memory_space<hbm>>
      tpu.wait_dma2 semaphore(%arg19 : memref<!tpu.dma_semaphore, #tpu.memory_space<semaphore_mem>>) src(%arg8 : memref<32x768xf32, #tpu.memory_space<vmem>>) dst(%dma_wait3A_93 : memref<32x768xf32, #tpu.memory_space<hbm>>)
      %add3A_94 = arith.constant 224 : i32
      %add3A_95 = arith.addi %mul3A_5, %add3A_94 : i32
      %dma_start3A_96 = arith.constant 0 : i32
      %dma_start3A_97 = tpu.memref_slice %arg2[%add3A_95, %dma_start3A_96] : memref<8192x768xf32, #tpu.memory_space<hbm>> -> memref<32x768xf32, #tpu.memory_space<hbm>>
      %dma_start3A_98 = arith.constant 0 : i32
      %dma_start3A_99 = tpu.memref_slice %arg2[%add3A_95, %dma_start3A_98] : memref<8192x768xf32, #tpu.memory_space<hbm>> -> memref<32x768xf32, #tpu.memory_space<hbm>>
      tpu.enqueue_dma source(%dma_start3A_99 : memref<32x768xf32, #tpu.memory_space<hbm>>) target(%arg8 : memref<32x768xf32, #tpu.memory_space<vmem>>) target_semaphore(%arg14 : memref<!tpu.dma_semaphore, #tpu.memory_space<semaphore_mem>>)
      %dma_wait3A_100 = arith.constant 0 : i32
      %dma_wait3A_101 = tpu.memref_slice %arg2[%add3A_30, %dma_wait3A_100] : memref<8192x768xf32, #tpu.memory_space<hbm>> -> memref<32x768xf32, #tpu.memory_space<hbm>>
      %dma_wait3A_102 = arith.constant 0 : i32
      %dma_wait3A_103 = tpu.memref_slice %arg2[%add3A_30, %dma_wait3A_102] : memref<8192x768xf32, #tpu.memory_space<hbm>> -> memref<32x768xf32, #tpu.memory_space<hbm>>
      tpu.wait_dma2 semaphore(%arg15 : memref<!tpu.dma_semaphore, #tpu.memory_space<semaphore_mem>>) src(%dma_wait3A_103 : memref<32x768xf32, #tpu.memory_space<hbm>>) dst(%arg9 : memref<32x768xf32, #tpu.memory_space<vmem>>)
      %add3A_104 = arith.constant 96 : i32
      %add3A_105 = arith.addi %mul3A_5, %add3A_104 : i32
      %dma_start3A_106 = arith.constant 0 : i32
      %dma_start3A_107 = tpu.memref_slice %arg4[%add3A_105, %dma_start3A_106] : memref<8192x768xf32, #tpu.memory_space<hbm>> -> memref<32x768xf32, #tpu.memory_space<hbm>>
      %dma_start3A_108 = arith.constant 0 : i32
      %dma_start3A_109 = tpu.memref_slice %arg4[%add3A_105, %dma_start3A_108] : memref<8192x768xf32, #tpu.memory_space<hbm>> -> memref<32x768xf32, #tpu.memory_space<hbm>>
      tpu.enqueue_dma source(%arg9 : memref<32x768xf32, #tpu.memory_space<vmem>>) target(%dma_start3A_109 : memref<32x768xf32, #tpu.memory_space<hbm>>) target_semaphore(%arg20 : memref<!tpu.dma_semaphore, #tpu.memory_space<semaphore_mem>>)
      %dma_wait3A_110 = arith.constant 0 : i32
      %dma_wait3A_111 = tpu.memref_slice %arg2[%add3A_36, %dma_wait3A_110] : memref<8192x768xf32, #tpu.memory_space<hbm>> -> memref<32x768xf32, #tpu.memory_space<hbm>>
      %dma_wait3A_112 = arith.constant 0 : i32
      %dma_wait3A_113 = tpu.memref_slice %arg2[%add3A_36, %dma_wait3A_112] : memref<8192x768xf32, #tpu.memory_space<hbm>> -> memref<32x768xf32, #tpu.memory_space<hbm>>
      tpu.wait_dma2 semaphore(%arg16 : memref<!tpu.dma_semaphore, #tpu.memory_space<semaphore_mem>>) src(%dma_wait3A_113 : memref<32x768xf32, #tpu.memory_space<hbm>>) dst(%arg10 : memref<32x768xf32, #tpu.memory_space<vmem>>)
      %add3A_114 = arith.constant 128 : i32
      %add3A_115 = arith.addi %mul3A_5, %add3A_114 : i32
      %dma_start3A_116 = arith.constant 0 : i32
      %dma_start3A_117 = tpu.memref_slice %arg4[%add3A_115, %dma_start3A_116] : memref<8192x768xf32, #tpu.memory_space<hbm>> -> memref<32x768xf32, #tpu.memory_space<hbm>>
      %dma_start3A_118 = arith.constant 0 : i32
      %dma_start3A_119 = tpu.memref_slice %arg4[%add3A_115, %dma_start3A_118] : memref<8192x768xf32, #tpu.memory_space<hbm>> -> memref<32x768xf32, #tpu.memory_space<hbm>>
      tpu.enqueue_dma source(%arg10 : memref<32x768xf32, #tpu.memory_space<vmem>>) target(%dma_start3A_119 : memref<32x768xf32, #tpu.memory_space<hbm>>) target_semaphore(%arg21 : memref<!tpu.dma_semaphore, #tpu.memory_space<semaphore_mem>>)
      %dma_wait3A_120 = arith.constant 0 : i32
      %dma_wait3A_121 = tpu.memref_slice %arg2[%add3A_55, %dma_wait3A_120] : memref<8192x768xf32, #tpu.memory_space<hbm>> -> memref<32x768xf32, #tpu.memory_space<hbm>>
      %dma_wait3A_122 = arith.constant 0 : i32
      %dma_wait3A_123 = tpu.memref_slice %arg2[%add3A_55, %dma_wait3A_122] : memref<8192x768xf32, #tpu.memory_space<hbm>> -> memref<32x768xf32, #tpu.memory_space<hbm>>
      tpu.wait_dma2 semaphore(%arg12 : memref<!tpu.dma_semaphore, #tpu.memory_space<semaphore_mem>>) src(%dma_wait3A_123 : memref<32x768xf32, #tpu.memory_space<hbm>>) dst(%arg6 : memref<32x768xf32, #tpu.memory_space<vmem>>)
      %add3A_124 = arith.constant 160 : i32
      %add3A_125 = arith.addi %mul3A_5, %add3A_124 : i32
      %dma_start3A_126 = arith.constant 0 : i32
      %dma_start3A_127 = tpu.memref_slice %arg4[%add3A_125, %dma_start3A_126] : memref<8192x768xf32, #tpu.memory_space<hbm>> -> memref<32x768xf32, #tpu.memory_space<hbm>>
      %dma_start3A_128 = arith.constant 0 : i32
      %dma_start3A_129 = tpu.memref_slice %arg4[%add3A_125, %dma_start3A_128] : memref<8192x768xf32, #tpu.memory_space<hbm>> -> memref<32x768xf32, #tpu.memory_space<hbm>>
      tpu.enqueue_dma source(%arg6 : memref<32x768xf32, #tpu.memory_space<vmem>>) target(%dma_start3A_129 : memref<32x768xf32, #tpu.memory_space<hbm>>) target_semaphore(%arg17 : memref<!tpu.dma_semaphore, #tpu.memory_space<semaphore_mem>>)
      %dma_wait3A_130 = arith.constant 0 : i32
      %dma_wait3A_131 = tpu.memref_slice %arg2[%add3A_75, %dma_wait3A_130] : memref<8192x768xf32, #tpu.memory_space<hbm>> -> memref<32x768xf32, #tpu.memory_space<hbm>>
      %dma_wait3A_132 = arith.constant 0 : i32
      %dma_wait3A_133 = tpu.memref_slice %arg2[%add3A_75, %dma_wait3A_132] : memref<8192x768xf32, #tpu.memory_space<hbm>> -> memref<32x768xf32, #tpu.memory_space<hbm>>
      tpu.wait_dma2 semaphore(%arg13 : memref<!tpu.dma_semaphore, #tpu.memory_space<semaphore_mem>>) src(%dma_wait3A_133 : memref<32x768xf32, #tpu.memory_space<hbm>>) dst(%arg7 : memref<32x768xf32, #tpu.memory_space<vmem>>)
      %add3A_134 = arith.constant 192 : i32
      %add3A_135 = arith.addi %mul3A_5, %add3A_134 : i32
      %dma_start3A_136 = arith.constant 0 : i32
      %dma_start3A_137 = tpu.memref_slice %arg4[%add3A_135, %dma_start3A_136] : memref<8192x768xf32, #tpu.memory_space<hbm>> -> memref<32x768xf32, #tpu.memory_space<hbm>>
      %dma_start3A_138 = arith.constant 0 : i32
      %dma_start3A_139 = tpu.memref_slice %arg4[%add3A_135, %dma_start3A_138] : memref<8192x768xf32, #tpu.memory_space<hbm>> -> memref<32x768xf32, #tpu.memory_space<hbm>>
      tpu.enqueue_dma source(%arg7 : memref<32x768xf32, #tpu.memory_space<vmem>>) target(%dma_start3A_139 : memref<32x768xf32, #tpu.memory_space<hbm>>) target_semaphore(%arg18 : memref<!tpu.dma_semaphore, #tpu.memory_space<semaphore_mem>>)
      %dma_wait3A_140 = arith.constant 0 : i32
      %dma_wait3A_141 = tpu.memref_slice %arg2[%add3A_95, %dma_wait3A_140] : memref<8192x768xf32, #tpu.memory_space<hbm>> -> memref<32x768xf32, #tpu.memory_space<hbm>>
      %dma_wait3A_142 = arith.constant 0 : i32
      %dma_wait3A_143 = tpu.memref_slice %arg2[%add3A_95, %dma_wait3A_142] : memref<8192x768xf32, #tpu.memory_space<hbm>> -> memref<32x768xf32, #tpu.memory_space<hbm>>
      tpu.wait_dma2 semaphore(%arg14 : memref<!tpu.dma_semaphore, #tpu.memory_space<semaphore_mem>>) src(%dma_wait3A_143 : memref<32x768xf32, #tpu.memory_space<hbm>>) dst(%arg8 : memref<32x768xf32, #tpu.memory_space<vmem>>)
      %add3A_144 = arith.constant 224 : i32
      %add3A_145 = arith.addi %mul3A_5, %add3A_144 : i32
      %dma_start3A_146 = arith.constant 0 : i32
      %dma_start3A_147 = tpu.memref_slice %arg4[%add3A_145, %dma_start3A_146] : memref<8192x768xf32, #tpu.memory_space<hbm>> -> memref<32x768xf32, #tpu.memory_space<hbm>>
      %dma_start3A_148 = arith.constant 0 : i32
      %dma_start3A_149 = tpu.memref_slice %arg4[%add3A_145, %dma_start3A_148] : memref<8192x768xf32, #tpu.memory_space<hbm>> -> memref<32x768xf32, #tpu.memory_space<hbm>>
      tpu.enqueue_dma source(%arg8 : memref<32x768xf32, #tpu.memory_space<vmem>>) target(%dma_start3A_149 : memref<32x768xf32, #tpu.memory_space<hbm>>) target_semaphore(%arg19 : memref<!tpu.dma_semaphore, #tpu.memory_space<semaphore_mem>>)
      %dma_wait3A_150 = arith.constant 0 : i32
      %dma_wait3A_151 = tpu.memref_slice %arg4[%add3A_105, %dma_wait3A_150] : memref<8192x768xf32, #tpu.memory_space<hbm>> -> memref<32x768xf32, #tpu.memory_space<hbm>>
      %dma_wait3A_152 = arith.constant 0 : i32
      %dma_wait3A_153 = tpu.memref_slice %arg4[%add3A_105, %dma_wait3A_152] : memref<8192x768xf32, #tpu.memory_space<hbm>> -> memref<32x768xf32, #tpu.memory_space<hbm>>
      tpu.wait_dma2 semaphore(%arg20 : memref<!tpu.dma_semaphore, #tpu.memory_space<semaphore_mem>>) src(%arg9 : memref<32x768xf32, #tpu.memory_space<vmem>>) dst(%dma_wait3A_153 : memref<32x768xf32, #tpu.memory_space<hbm>>)
      %dma_wait3A_154 = arith.constant 0 : i32
      %dma_wait3A_155 = tpu.memref_slice %arg4[%add3A_115, %dma_wait3A_154] : memref<8192x768xf32, #tpu.memory_space<hbm>> -> memref<32x768xf32, #tpu.memory_space<hbm>>
      %dma_wait3A_156 = arith.constant 0 : i32
      %dma_wait3A_157 = tpu.memref_slice %arg4[%add3A_115, %dma_wait3A_156] : memref<8192x768xf32, #tpu.memory_space<hbm>> -> memref<32x768xf32, #tpu.memory_space<hbm>>
      tpu.wait_dma2 semaphore(%arg21 : memref<!tpu.dma_semaphore, #tpu.memory_space<semaphore_mem>>) src(%arg10 : memref<32x768xf32, #tpu.memory_space<vmem>>) dst(%dma_wait3A_157 : memref<32x768xf32, #tpu.memory_space<hbm>>)
      %dma_wait3A_158 = arith.constant 0 : i32
      %dma_wait3A_159 = tpu.memref_slice %arg4[%add3A_125, %dma_wait3A_158] : memref<8192x768xf32, #tpu.memory_space<hbm>> -> memref<32x768xf32, #tpu.memory_space<hbm>>
      %dma_wait3A_160 = arith.constant 0 : i32
      %dma_wait3A_161 = tpu.memref_slice %arg4[%add3A_125, %dma_wait3A_160] : memref<8192x768xf32, #tpu.memory_space<hbm>> -> memref<32x768xf32, #tpu.memory_space<hbm>>
      tpu.wait_dma2 semaphore(%arg17 : memref<!tpu.dma_semaphore, #tpu.memory_space<semaphore_mem>>) src(%arg6 : memref<32x768xf32, #tpu.memory_space<vmem>>) dst(%dma_wait3A_161 : memref<32x768xf32, #tpu.memory_space<hbm>>)
      %dma_wait3A_162 = arith.constant 0 : i32
      %dma_wait3A_163 = tpu.memref_slice %arg4[%add3A_135, %dma_wait3A_162] : memref<8192x768xf32, #tpu.memory_space<hbm>> -> memref<32x768xf32, #tpu.memory_space<hbm>>
      %dma_wait3A_164 = arith.constant 0 : i32
      %dma_wait3A_165 = tpu.memref_slice %arg4[%add3A_135, %dma_wait3A_164] : memref<8192x768xf32, #tpu.memory_space<hbm>> -> memref<32x768xf32, #tpu.memory_space<hbm>>
      tpu.wait_dma2 semaphore(%arg18 : memref<!tpu.dma_semaphore, #tpu.memory_space<semaphore_mem>>) src(%arg7 : memref<32x768xf32, #tpu.memory_space<vmem>>) dst(%dma_wait3A_165 : memref<32x768xf32, #tpu.memory_space<hbm>>)
      %dma_wait3A_166 = arith.constant 0 : i32
      %dma_wait3A_167 = tpu.memref_slice %arg4[%add3A_145, %dma_wait3A_166] : memref<8192x768xf32, #tpu.memory_space<hbm>> -> memref<32x768xf32, #tpu.memory_space<hbm>>
      %dma_wait3A_168 = arith.constant 0 : i32
      %dma_wait3A_169 = tpu.memref_slice %arg4[%add3A_145, %dma_wait3A_168] : memref<8192x768xf32, #tpu.memory_space<hbm>> -> memref<32x768xf32, #tpu.memory_space<hbm>>
      tpu.wait_dma2 semaphore(%arg19 : memref<!tpu.dma_semaphore, #tpu.memory_space<semaphore_mem>>) src(%arg8 : memref<32x768xf32, #tpu.memory_space<vmem>>) dst(%dma_wait3A_169 : memref<32x768xf32, #tpu.memory_space<hbm>>)
    } else {
    }
    %ne3A = arith.constant 0 : i32
    %ne3A_8 = arith.cmpi ne, %sub3A_3, %ne3A : i32
    %convert_element_type3A_9 = arith.extui %ne3A_8 : i1 to i32
    %cond3A_10 = arith.constant 0 : i32
    %cond3A_11 = arith.cmpi ne, %convert_element_type3A_9, %cond3A_10 : i32
    scf.if %cond3A_11 {
      %add3A_12 = arith.constant 0 : i32
      %add3A_13 = arith.addi %mul3A_5, %add3A_12 : i32
      %add3A_14 = vector.broadcast %add3A_13 : i32 to vector<16xi32>
      %add3A_15 = arith.addi %iota3A, %add3A_14 : vector<16xi32>
      %add3A_16 = vector.broadcast %sub3A_3 : i32 to vector<16xi32>
      %add3A_17 = arith.addi %add3A_15, %add3A_16 : vector<16xi32>
      %max3A = arith.constant 0 : i32
      %max3A_18 = vector.broadcast %max3A : i32 to vector<16xi32>
      %max3A_19 = arith.maxsi %add3A_17, %max3A_18 : vector<16xi32>
      %min3A = arith.constant 8191 : i32
      %min3A_20 = vector.broadcast %min3A : i32 to vector<16xi32>
      %min3A_21 = arith.minsi %max3A_19, %min3A_20 : vector<16xi32>
      %swap3A = arith.constant 0 : index
      %swap3A_22 = tpu.vector_load %arg5[%swap3A] {strides = array<i32>} : memref<256xi32, #tpu.memory_space<vmem>>, vector<16xi32>,
      %swap3A_23 = vector.shape_cast %swap3A_22 : vector<16xi32> to vector<16xi32>
      %swap3A_24 = vector.shape_cast %min3A_21 : vector<16xi32> to vector<16xi32>
      tpu.vector_store %arg5[%swap3A], %swap3A_24 {strides = array<i32>} : memref<256xi32, #tpu.memory_space<vmem>>, vector<16xi32>,
      %add3A_25 = arith.constant 16 : i32
      %add3A_26 = arith.addi %mul3A_5, %add3A_25 : i32
      %add3A_27 = vector.broadcast %add3A_26 : i32 to vector<16xi32>
      %add3A_28 = arith.addi %iota3A, %add3A_27 : vector<16xi32>
      %add3A_29 = vector.broadcast %sub3A_3 : i32 to vector<16xi32>
      %add3A_30 = arith.addi %add3A_28, %add3A_29 : vector<16xi32>
      %max3A_31 = arith.constant 0 : i32
      %max3A_32 = vector.broadcast %max3A_31 : i32 to vector<16xi32>
      %max3A_33 = arith.maxsi %add3A_30, %max3A_32 : vector<16xi32>
      %min3A_34 = arith.constant 8191 : i32
      %min3A_35 = vector.broadcast %min3A_34 : i32 to vector<16xi32>
      %min3A_36 = arith.minsi %max3A_33, %min3A_35 : vector<16xi32>
      %swap3A_37 = arith.constant 16 : index
      %swap3A_38 = tpu.vector_load %arg5[%swap3A_37] {strides = array<i32>} : memref<256xi32, #tpu.memory_space<vmem>>, vector<16xi32>,
      %swap3A_39 = vector.shape_cast %swap3A_38 : vector<16xi32> to vector<16xi32>
      %swap3A_40 = vector.shape_cast %min3A_36 : vector<16xi32> to vector<16xi32>
      tpu.vector_store %arg5[%swap3A_37], %swap3A_40 {strides = array<i32>} : memref<256xi32, #tpu.memory_space<vmem>>, vector<16xi32>,
      %add3A_41 = arith.constant 32 : i32
      %add3A_42 = arith.addi %mul3A_5, %add3A_41 : i32
      %add3A_43 = vector.broadcast %add3A_42 : i32 to vector<16xi32>
      %add3A_44 = arith.addi %iota3A, %add3A_43 : vector<16xi32>
      %add3A_45 = vector.broadcast %sub3A_3 : i32 to vector<16xi32>
      %add3A_46 = arith.addi %add3A_44, %add3A_45 : vector<16xi32>
      %max3A_47 = arith.constant 0 : i32
      %max3A_48 = vector.broadcast %max3A_47 : i32 to vector<16xi32>
      %max3A_49 = arith.maxsi %add3A_46, %max3A_48 : vector<16xi32>
      %min3A_50 = arith.constant 8191 : i32
      %min3A_51 = vector.broadcast %min3A_50 : i32 to vector<16xi32>
      %min3A_52 = arith.minsi %max3A_49, %min3A_51 : vector<16xi32>
      %swap3A_53 = arith.constant 32 : index
      %swap3A_54 = tpu.vector_load %arg5[%swap3A_53] {strides = array<i32>} : memref<256xi32, #tpu.memory_space<vmem>>, vector<16xi32>,
      %swap3A_55 = vector.shape_cast %swap3A_54 : vector<16xi32> to vector<16xi32>
      %swap3A_56 = vector.shape_cast %min3A_52 : vector<16xi32> to vector<16xi32>
      tpu.vector_store %arg5[%swap3A_53], %swap3A_56 {strides = array<i32>} : memref<256xi32, #tpu.memory_space<vmem>>, vector<16xi32>,
      %add3A_57 = arith.constant 48 : i32
      %add3A_58 = arith.addi %mul3A_5, %add3A_57 : i32
      %add3A_59 = vector.broadcast %add3A_58 : i32 to vector<16xi32>
      %add3A_60 = arith.addi %iota3A, %add3A_59 : vector<16xi32>
      %add3A_61 = vector.broadcast %sub3A_3 : i32 to vector<16xi32>
      %add3A_62 = arith.addi %add3A_60, %add3A_61 : vector<16xi32>
      %max3A_63 = arith.constant 0 : i32
      %max3A_64 = vector.broadcast %max3A_63 : i32 to vector<16xi32>
      %max3A_65 = arith.maxsi %add3A_62, %max3A_64 : vector<16xi32>
      %min3A_66 = arith.constant 8191 : i32
      %min3A_67 = vector.broadcast %min3A_66 : i32 to vector<16xi32>
      %min3A_68 = arith.minsi %max3A_65, %min3A_67 : vector<16xi32>
      %swap3A_69 = arith.constant 48 : index
      %swap3A_70 = tpu.vector_load %arg5[%swap3A_69] {strides = array<i32>} : memref<256xi32, #tpu.memory_space<vmem>>, vector<16xi32>,
      %swap3A_71 = vector.shape_cast %swap3A_70 : vector<16xi32> to vector<16xi32>
      %swap3A_72 = vector.shape_cast %min3A_68 : vector<16xi32> to vector<16xi32>
      tpu.vector_store %arg5[%swap3A_69], %swap3A_72 {strides = array<i32>} : memref<256xi32, #tpu.memory_space<vmem>>, vector<16xi32>,
      %add3A_73 = arith.constant 64 : i32
      %add3A_74 = arith.addi %mul3A_5, %add3A_73 : i32
      %add3A_75 = vector.broadcast %add3A_74 : i32 to vector<16xi32>
      %add3A_76 = arith.addi %iota3A, %add3A_75 : vector<16xi32>
      %add3A_77 = vector.broadcast %sub3A_3 : i32 to vector<16xi32>
      %add3A_78 = arith.addi %add3A_76, %add3A_77 : vector<16xi32>
      %max3A_79 = arith.constant 0 : i32
      %max3A_80 = vector.broadcast %max3A_79 : i32 to vector<16xi32>
      %max3A_81 = arith.maxsi %add3A_78, %max3A_80 : vector<16xi32>
      %min3A_82 = arith.constant 8191 : i32
      %min3A_83 = vector.broadcast %min3A_82 : i32 to vector<16xi32>
      %min3A_84 = arith.minsi %max3A_81, %min3A_83 : vector<16xi32>
      %swap3A_85 = arith.constant 64 : index
      %swap3A_86 = tpu.vector_load %arg5[%swap3A_85] {strides = array<i32>} : memref<256xi32, #tpu.memory_space<vmem>>, vector<16xi32>,
      %swap3A_87 = vector.shape_cast %swap3A_86 : vector<16xi32> to vector<16xi32>
      %swap3A_88 = vector.shape_cast %min3A_84 : vector<16xi32> to vector<16xi32>
      tpu.vector_store %arg5[%swap3A_85], %swap3A_88 {strides = array<i32>} : memref<256xi32, #tpu.memory_space<vmem>>, vector<16xi32>,
      %add3A_89 = arith.constant 80 : i32
      %add3A_90 = arith.addi %mul3A_5, %add3A_89 : i32
      %add3A_91 = vector.broadcast %add3A_90 : i32 to vector<16xi32>
      %add3A_92 = arith.addi %iota3A, %add3A_91 : vector<16xi32>
      %add3A_93 = vector.broadcast %sub3A_3 : i32 to vector<16xi32>
      %add3A_94 = arith.addi %add3A_92, %add3A_93 : vector<16xi32>
      %max3A_95 = arith.constant 0 : i32
      %max3A_96 = vector.broadcast %max3A_95 : i32 to vector<16xi32>
      %max3A_97 = arith.maxsi %add3A_94, %max3A_96 : vector<16xi32>
      %min3A_98 = arith.constant 8191 : i32
      %min3A_99 = vector.broadcast %min3A_98 : i32 to vector<16xi32>
      %min3A_100 = arith.minsi %max3A_97, %min3A_99 : vector<16xi32>
      %swap3A_101 = arith.constant 80 : index
      %swap3A_102 = tpu.vector_load %arg5[%swap3A_101] {strides = array<i32>} : memref<256xi32, #tpu.memory_space<vmem>>, vector<16xi32>,
      %swap3A_103 = vector.shape_cast %swap3A_102 : vector<16xi32> to vector<16xi32>
      %swap3A_104 = vector.shape_cast %min3A_100 : vector<16xi32> to vector<16xi32>
      tpu.vector_store %arg5[%swap3A_101], %swap3A_104 {strides = array<i32>} : memref<256xi32, #tpu.memory_space<vmem>>, vector<16xi32>,
      %add3A_105 = arith.constant 96 : i32
      %add3A_106 = arith.addi %mul3A_5, %add3A_105 : i32
      %add3A_107 = vector.broadcast %add3A_106 : i32 to vector<16xi32>
      %add3A_108 = arith.addi %iota3A, %add3A_107 : vector<16xi32>
      %add3A_109 = vector.broadcast %sub3A_3 : i32 to vector<16xi32>
      %add3A_110 = arith.addi %add3A_108, %add3A_109 : vector<16xi32>
      %max3A_111 = arith.constant 0 : i32
      %max3A_112 = vector.broadcast %max3A_111 : i32 to vector<16xi32>
      %max3A_113 = arith.maxsi %add3A_110, %max3A_112 : vector<16xi32>
      %min3A_114 = arith.constant 8191 : i32
      %min3A_115 = vector.broadcast %min3A_114 : i32 to vector<16xi32>
      %min3A_116 = arith.minsi %max3A_113, %min3A_115 : vector<16xi32>
      %swap3A_117 = arith.constant 96 : index
      %swap3A_118 = tpu.vector_load %arg5[%swap3A_117] {strides = array<i32>} : memref<256xi32, #tpu.memory_space<vmem>>, vector<16xi32>,
      %swap3A_119 = vector.shape_cast %swap3A_118 : vector<16xi32> to vector<16xi32>
      %swap3A_120 = vector.shape_cast %min3A_116 : vector<16xi32> to vector<16xi32>
      tpu.vector_store %arg5[%swap3A_117], %swap3A_120 {strides = array<i32>} : memref<256xi32, #tpu.memory_space<vmem>>, vector<16xi32>,
      %add3A_121 = arith.constant 112 : i32
      %add3A_122 = arith.addi %mul3A_5, %add3A_121 : i32
      %add3A_123 = vector.broadcast %add3A_122 : i32 to vector<16xi32>
      %add3A_124 = arith.addi %iota3A, %add3A_123 : vector<16xi32>
      %add3A_125 = vector.broadcast %sub3A_3 : i32 to vector<16xi32>
      %add3A_126 = arith.addi %add3A_124, %add3A_125 : vector<16xi32>
      %max3A_127 = arith.constant 0 : i32
      %max3A_128 = vector.broadcast %max3A_127 : i32 to vector<16xi32>
      %max3A_129 = arith.maxsi %add3A_126, %max3A_128 : vector<16xi32>
      %min3A_130 = arith.constant 8191 : i32
      %min3A_131 = vector.broadcast %min3A_130 : i32 to vector<16xi32>
      %min3A_132 = arith.minsi %max3A_129, %min3A_131 : vector<16xi32>
      %swap3A_133 = arith.constant 112 : index
      %swap3A_134 = tpu.vector_load %arg5[%swap3A_133] {strides = array<i32>} : memref<256xi32, #tpu.memory_space<vmem>>, vector<16xi32>,
      %swap3A_135 = vector.shape_cast %swap3A_134 : vector<16xi32> to vector<16xi32>
      %swap3A_136 = vector.shape_cast %min3A_132 : vector<16xi32> to vector<16xi32>
      tpu.vector_store %arg5[%swap3A_133], %swap3A_136 {strides = array<i32>} : memref<256xi32, #tpu.memory_space<vmem>>, vector<16xi32>,
      %add3A_137 = arith.constant 128 : i32
      %add3A_138 = arith.addi %mul3A_5, %add3A_137 : i32
      %add3A_139 = vector.broadcast %add3A_138 : i32 to vector<16xi32>
      %add3A_140 = arith.addi %iota3A, %add3A_139 : vector<16xi32>
      %add3A_141 = vector.broadcast %sub3A_3 : i32 to vector<16xi32>
      %add3A_142 = arith.addi %add3A_140, %add3A_141 : vector<16xi32>
      %max3A_143 = arith.constant 0 : i32
      %max3A_144 = vector.broadcast %max3A_143 : i32 to vector<16xi32>
      %max3A_145 = arith.maxsi %add3A_142, %max3A_144 : vector<16xi32>
      %min3A_146 = arith.constant 8191 : i32
      %min3A_147 = vector.broadcast %min3A_146 : i32 to vector<16xi32>
      %min3A_148 = arith.minsi %max3A_145, %min3A_147 : vector<16xi32>
      %swap3A_149 = arith.constant 128 : index
      %swap3A_150 = tpu.vector_load %arg5[%swap3A_149] {strides = array<i32>} : memref<256xi32, #tpu.memory_space<vmem>>, vector<16xi32>,
      %swap3A_151 = vector.shape_cast %swap3A_150 : vector<16xi32> to vector<16xi32>
      %swap3A_152 = vector.shape_cast %min3A_148 : vector<16xi32> to vector<16xi32>
      tpu.vector_store %arg5[%swap3A_149], %swap3A_152 {strides = array<i32>} : memref<256xi32, #tpu.memory_space<vmem>>, vector<16xi32>,
      %add3A_153 = arith.constant 144 : i32
      %add3A_154 = arith.addi %mul3A_5, %add3A_153 : i32
      %add3A_155 = vector.broadcast %add3A_154 : i32 to vector<16xi32>
      %add3A_156 = arith.addi %iota3A, %add3A_155 : vector<16xi32>
      %add3A_157 = vector.broadcast %sub3A_3 : i32 to vector<16xi32>
      %add3A_158 = arith.addi %add3A_156, %add3A_157 : vector<16xi32>
      %max3A_159 = arith.constant 0 : i32
      %max3A_160 = vector.broadcast %max3A_159 : i32 to vector<16xi32>
      %max3A_161 = arith.maxsi %add3A_158, %max3A_160 : vector<16xi32>
      %min3A_162 = arith.constant 8191 : i32
      %min3A_163 = vector.broadcast %min3A_162 : i32 to vector<16xi32>
      %min3A_164 = arith.minsi %max3A_161, %min3A_163 : vector<16xi32>
      %swap3A_165 = arith.constant 144 : index
      %swap3A_166 = tpu.vector_load %arg5[%swap3A_165] {strides = array<i32>} : memref<256xi32, #tpu.memory_space<vmem>>, vector<16xi32>,
      %swap3A_167 = vector.shape_cast %swap3A_166 : vector<16xi32> to vector<16xi32>
      %swap3A_168 = vector.shape_cast %min3A_164 : vector<16xi32> to vector<16xi32>
      tpu.vector_store %arg5[%swap3A_165], %swap3A_168 {strides = array<i32>} : memref<256xi32, #tpu.memory_space<vmem>>, vector<16xi32>,
      %add3A_169 = arith.constant 160 : i32
      %add3A_170 = arith.addi %mul3A_5, %add3A_169 : i32
      %add3A_171 = vector.broadcast %add3A_170 : i32 to vector<16xi32>
      %add3A_172 = arith.addi %iota3A, %add3A_171 : vector<16xi32>
      %add3A_173 = vector.broadcast %sub3A_3 : i32 to vector<16xi32>
      %add3A_174 = arith.addi %add3A_172, %add3A_173 : vector<16xi32>
      %max3A_175 = arith.constant 0 : i32
      %max3A_176 = vector.broadcast %max3A_175 : i32 to vector<16xi32>
      %max3A_177 = arith.maxsi %add3A_174, %max3A_176 : vector<16xi32>
      %min3A_178 = arith.constant 8191 : i32
      %min3A_179 = vector.broadcast %min3A_178 : i32 to vector<16xi32>
      %min3A_180 = arith.minsi %max3A_177, %min3A_179 : vector<16xi32>
      %swap3A_181 = arith.constant 160 : index
      %swap3A_182 = tpu.vector_load %arg5[%swap3A_181] {strides = array<i32>} : memref<256xi32, #tpu.memory_space<vmem>>, vector<16xi32>,
      %swap3A_183 = vector.shape_cast %swap3A_182 : vector<16xi32> to vector<16xi32>
      %swap3A_184 = vector.shape_cast %min3A_180 : vector<16xi32> to vector<16xi32>
      tpu.vector_store %arg5[%swap3A_181], %swap3A_184 {strides = array<i32>} : memref<256xi32, #tpu.memory_space<vmem>>, vector<16xi32>,
      %add3A_185 = arith.constant 176 : i32
      %add3A_186 = arith.addi %mul3A_5, %add3A_185 : i32
      %add3A_187 = vector.broadcast %add3A_186 : i32 to vector<16xi32>
      %add3A_188 = arith.addi %iota3A, %add3A_187 : vector<16xi32>
      %add3A_189 = vector.broadcast %sub3A_3 : i32 to vector<16xi32>
      %add3A_190 = arith.addi %add3A_188, %add3A_189 : vector<16xi32>
      %max3A_191 = arith.constant 0 : i32
      %max3A_192 = vector.broadcast %max3A_191 : i32 to vector<16xi32>
      %max3A_193 = arith.maxsi %add3A_190, %max3A_192 : vector<16xi32>
      %min3A_194 = arith.constant 8191 : i32
      %min3A_195 = vector.broadcast %min3A_194 : i32 to vector<16xi32>
      %min3A_196 = arith.minsi %max3A_193, %min3A_195 : vector<16xi32>
      %swap3A_197 = arith.constant 176 : index
      %swap3A_198 = tpu.vector_load %arg5[%swap3A_197] {strides = array<i32>} : memref<256xi32, #tpu.memory_space<vmem>>, vector<16xi32>,
      %swap3A_199 = vector.shape_cast %swap3A_198 : vector<16xi32> to vector<16xi32>
      %swap3A_200 = vector.shape_cast %min3A_196 : vector<16xi32> to vector<16xi32>
      tpu.vector_store %arg5[%swap3A_197], %swap3A_200 {strides = array<i32>} : memref<256xi32, #tpu.memory_space<vmem>>, vector<16xi32>,
      %add3A_201 = arith.constant 192 : i32
      %add3A_202 = arith.addi %mul3A_5, %add3A_201 : i32
      %add3A_203 = vector.broadcast %add3A_202 : i32 to vector<16xi32>
      %add3A_204 = arith.addi %iota3A, %add3A_203 : vector<16xi32>
      %add3A_205 = vector.broadcast %sub3A_3 : i32 to vector<16xi32>
      %add3A_206 = arith.addi %add3A_204, %add3A_205 : vector<16xi32>
      %max3A_207 = arith.constant 0 : i32
      %max3A_208 = vector.broadcast %max3A_207 : i32 to vector<16xi32>
      %max3A_209 = arith.maxsi %add3A_206, %max3A_208 : vector<16xi32>
      %min3A_210 = arith.constant 8191 : i32
      %min3A_211 = vector.broadcast %min3A_210 : i32 to vector<16xi32>
      %min3A_212 = arith.minsi %max3A_209, %min3A_211 : vector<16xi32>
      %swap3A_213 = arith.constant 192 : index
      %swap3A_214 = tpu.vector_load %arg5[%swap3A_213] {strides = array<i32>} : memref<256xi32, #tpu.memory_space<vmem>>, vector<16xi32>,
      %swap3A_215 = vector.shape_cast %swap3A_214 : vector<16xi32> to vector<16xi32>
      %swap3A_216 = vector.shape_cast %min3A_212 : vector<16xi32> to vector<16xi32>
      tpu.vector_store %arg5[%swap3A_213], %swap3A_216 {strides = array<i32>} : memref<256xi32, #tpu.memory_space<vmem>>, vector<16xi32>,
      %add3A_217 = arith.constant 208 : i32
      %add3A_218 = arith.addi %mul3A_5, %add3A_217 : i32
      %add3A_219 = vector.broadcast %add3A_218 : i32 to vector<16xi32>
      %add3A_220 = arith.addi %iota3A, %add3A_219 : vector<16xi32>
      %add3A_221 = vector.broadcast %sub3A_3 : i32 to vector<16xi32>
      %add3A_222 = arith.addi %add3A_220, %add3A_221 : vector<16xi32>
      %max3A_223 = arith.constant 0 : i32
      %max3A_224 = vector.broadcast %max3A_223 : i32 to vector<16xi32>
      %max3A_225 = arith.maxsi %add3A_222, %max3A_224 : vector<16xi32>
      %min3A_226 = arith.constant 8191 : i32
      %min3A_227 = vector.broadcast %min3A_226 : i32 to vector<16xi32>
      %min3A_228 = arith.minsi %max3A_225, %min3A_227 : vector<16xi32>
      %swap3A_229 = arith.constant 208 : index
      %swap3A_230 = tpu.vector_load %arg5[%swap3A_229] {strides = array<i32>} : memref<256xi32, #tpu.memory_space<vmem>>, vector<16xi32>,
      %swap3A_231 = vector.shape_cast %swap3A_230 : vector<16xi32> to vector<16xi32>
      %swap3A_232 = vector.shape_cast %min3A_228 : vector<16xi32> to vector<16xi32>
      tpu.vector_store %arg5[%swap3A_229], %swap3A_232 {strides = array<i32>} : memref<256xi32, #tpu.memory_space<vmem>>, vector<16xi32>,
      %add3A_233 = arith.constant 224 : i32
      %add3A_234 = arith.addi %mul3A_5, %add3A_233 : i32
      %add3A_235 = vector.broadcast %add3A_234 : i32 to vector<16xi32>
      %add3A_236 = arith.addi %iota3A, %add3A_235 : vector<16xi32>
      %add3A_237 = vector.broadcast %sub3A_3 : i32 to vector<16xi32>
      %add3A_238 = arith.addi %add3A_236, %add3A_237 : vector<16xi32>
      %max3A_239 = arith.constant 0 : i32
      %max3A_240 = vector.broadcast %max3A_239 : i32 to vector<16xi32>
      %max3A_241 = arith.maxsi %add3A_238, %max3A_240 : vector<16xi32>
      %min3A_242 = arith.constant 8191 : i32
      %min3A_243 = vector.broadcast %min3A_242 : i32 to vector<16xi32>
      %min3A_244 = arith.minsi %max3A_241, %min3A_243 : vector<16xi32>
      %swap3A_245 = arith.constant 224 : index
      %swap3A_246 = tpu.vector_load %arg5[%swap3A_245] {strides = array<i32>} : memref<256xi32, #tpu.memory_space<vmem>>, vector<16xi32>,
      %swap3A_247 = vector.shape_cast %swap3A_246 : vector<16xi32> to vector<16xi32>
      %swap3A_248 = vector.shape_cast %min3A_244 : vector<16xi32> to vector<16xi32>
      tpu.vector_store %arg5[%swap3A_245], %swap3A_248 {strides = array<i32>} : memref<256xi32, #tpu.memory_space<vmem>>, vector<16xi32>,
      %add3A_249 = arith.constant 240 : i32
      %add3A_250 = arith.addi %mul3A_5, %add3A_249 : i32
      %add3A_251 = vector.broadcast %add3A_250 : i32 to vector<16xi32>
      %add3A_252 = arith.addi %iota3A, %add3A_251 : vector<16xi32>
      %add3A_253 = vector.broadcast %sub3A_3 : i32 to vector<16xi32>
      %add3A_254 = arith.addi %add3A_252, %add3A_253 : vector<16xi32>
      %max3A_255 = arith.constant 0 : i32
      %max3A_256 = vector.broadcast %max3A_255 : i32 to vector<16xi32>
      %max3A_257 = arith.maxsi %add3A_254, %max3A_256 : vector<16xi32>
      %min3A_258 = arith.constant 8191 : i32
      %min3A_259 = vector.broadcast %min3A_258 : i32 to vector<16xi32>
      %min3A_260 = arith.minsi %max3A_257, %min3A_259 : vector<16xi32>
      %swap3A_261 = arith.constant 240 : index
      %swap3A_262 = tpu.vector_load %arg5[%swap3A_261] {strides = array<i32>} : memref<256xi32, #tpu.memory_space<vmem>>, vector<16xi32>,
      %swap3A_263 = vector.shape_cast %swap3A_262 : vector<16xi32> to vector<16xi32>
      %swap3A_264 = vector.shape_cast %min3A_260 : vector<16xi32> to vector<16xi32>
      tpu.vector_store %arg5[%swap3A_261], %swap3A_264 {strides = array<i32>} : memref<256xi32, #tpu.memory_space<vmem>>, vector<16xi32>,
      %dma_start3A = arith.constant 0 : i32
      %dma_start3A_265 = tpu.memref_slice %arg5[%dma_start3A] : memref<256xi32, #tpu.memory_space<vmem>> -> memref<32xi32, #tpu.memory_space<vmem>>
      %dma_start3A_266 = arith.constant 0 : i32
      %dma_start3A_267 = arith.constant 0 : i32
      %dma_start3A_268 = tpu.memref_slice %arg2[%dma_start3A_266, %dma_start3A_267] : memref<8192x768xf32, #tpu.memory_space<hbm>> -> memref<8192x768xf32, #tpu.memory_space<hbm>>
      tpu.enqueue_indirect_dma source(%dma_start3A_268 : memref<8192x768xf32, #tpu.memory_space<hbm>>) target(%arg6 : memref<32x768xf32, #tpu.memory_space<vmem>>) offsets(%dma_start3A_265 : memref<32xi32, #tpu.memory_space<vmem>>) semaphore(%arg12 : memref<!tpu.dma_semaphore, #tpu.memory_space<semaphore_mem>>)
      %dma_start3A_269 = arith.constant 32 : i32
      %dma_start3A_270 = tpu.memref_slice %arg5[%dma_start3A_269] : memref<256xi32, #tpu.memory_space<vmem>> -> memref<32xi32, #tpu.memory_space<vmem>>
      %dma_start3A_271 = arith.constant 0 : i32
      %dma_start3A_272 = arith.constant 0 : i32
      %dma_start3A_273 = tpu.memref_slice %arg2[%dma_start3A_271, %dma_start3A_272] : memref<8192x768xf32, #tpu.memory_space<hbm>> -> memref<8192x768xf32, #tpu.memory_space<hbm>>
      tpu.enqueue_indirect_dma source(%dma_start3A_273 : memref<8192x768xf32, #tpu.memory_space<hbm>>) target(%arg7 : memref<32x768xf32, #tpu.memory_space<vmem>>) offsets(%dma_start3A_270 : memref<32xi32, #tpu.memory_space<vmem>>) semaphore(%arg13 : memref<!tpu.dma_semaphore, #tpu.memory_space<semaphore_mem>>)
      %dma_start3A_274 = arith.constant 64 : i32
      %dma_start3A_275 = tpu.memref_slice %arg5[%dma_start3A_274] : memref<256xi32, #tpu.memory_space<vmem>> -> memref<32xi32, #tpu.memory_space<vmem>>
      %dma_start3A_276 = arith.constant 0 : i32
      %dma_start3A_277 = arith.constant 0 : i32
      %dma_start3A_278 = tpu.memref_slice %arg2[%dma_start3A_276, %dma_start3A_277] : memref<8192x768xf32, #tpu.memory_space<hbm>> -> memref<8192x768xf32, #tpu.memory_space<hbm>>
      tpu.enqueue_indirect_dma source(%dma_start3A_278 : memref<8192x768xf32, #tpu.memory_space<hbm>>) target(%arg8 : memref<32x768xf32, #tpu.memory_space<vmem>>) offsets(%dma_start3A_275 : memref<32xi32, #tpu.memory_space<vmem>>) semaphore(%arg14 : memref<!tpu.dma_semaphore, #tpu.memory_space<semaphore_mem>>)
      %dma_start3A_279 = arith.constant 96 : i32
      %dma_start3A_280 = tpu.memref_slice %arg5[%dma_start3A_279] : memref<256xi32, #tpu.memory_space<vmem>> -> memref<32xi32, #tpu.memory_space<vmem>>
      %dma_start3A_281 = arith.constant 0 : i32
      %dma_start3A_282 = arith.constant 0 : i32
      %dma_start3A_283 = tpu.memref_slice %arg2[%dma_start3A_281, %dma_start3A_282] : memref<8192x768xf32, #tpu.memory_space<hbm>> -> memref<8192x768xf32, #tpu.memory_space<hbm>>
      tpu.enqueue_indirect_dma source(%dma_start3A_283 : memref<8192x768xf32, #tpu.memory_space<hbm>>) target(%arg9 : memref<32x768xf32, #tpu.memory_space<vmem>>) offsets(%dma_start3A_280 : memref<32xi32, #tpu.memory_space<vmem>>) semaphore(%arg15 : memref<!tpu.dma_semaphore, #tpu.memory_space<semaphore_mem>>)
      %dma_start3A_284 = arith.constant 128 : i32
      %dma_start3A_285 = tpu.memref_slice %arg5[%dma_start3A_284] : memref<256xi32, #tpu.memory_space<vmem>> -> memref<32xi32, #tpu.memory_space<vmem>>
      %dma_start3A_286 = arith.constant 0 : i32
      %dma_start3A_287 = arith.constant 0 : i32
      %dma_start3A_288 = tpu.memref_slice %arg2[%dma_start3A_286, %dma_start3A_287] : memref<8192x768xf32, #tpu.memory_space<hbm>> -> memref<8192x768xf32, #tpu.memory_space<hbm>>
      tpu.enqueue_indirect_dma source(%dma_start3A_288 : memref<8192x768xf32, #tpu.memory_space<hbm>>) target(%arg10 : memref<32x768xf32, #tpu.memory_space<vmem>>) offsets(%dma_start3A_285 : memref<32xi32, #tpu.memory_space<vmem>>) semaphore(%arg16 : memref<!tpu.dma_semaphore, #tpu.memory_space<semaphore_mem>>)
      %dma_wait3A = arith.constant 0 : i32
      %dma_wait3A_289 = tpu.memref_slice %arg5[%dma_wait3A] : memref<256xi32, #tpu.memory_space<vmem>> -> memref<32xi32, #tpu.memory_space<vmem>>
      %dma_wait3A_290 = arith.constant 0 : i32
      %dma_wait3A_291 = arith.constant 0 : i32
      %dma_wait3A_292 = tpu.memref_slice %arg2[%dma_wait3A_290, %dma_wait3A_291] : memref<8192x768xf32, #tpu.memory_space<hbm>> -> memref<8192x768xf32, #tpu.memory_space<hbm>>
      tpu.wait_indirect_dma semaphore(%arg12 : memref<!tpu.dma_semaphore, #tpu.memory_space<semaphore_mem>>) src(%dma_wait3A_292 : memref<8192x768xf32, #tpu.memory_space<hbm>>) dst(%arg6 : memref<32x768xf32, #tpu.memory_space<vmem>>)
      %add3A_293 = arith.constant 0 : i32
      %add3A_294 = arith.addi %mul3A_5, %add3A_293 : i32
      %dma_start3A_295 = arith.constant 0 : i32
      %dma_start3A_296 = tpu.memref_slice %arg4[%add3A_294, %dma_start3A_295] : memref<8192x768xf32, #tpu.memory_space<hbm>> -> memref<32x768xf32, #tpu.memory_space<hbm>>
      %dma_start3A_297 = arith.constant 0 : i32
      %dma_start3A_298 = tpu.memref_slice %arg4[%add3A_294, %dma_start3A_297] : memref<8192x768xf32, #tpu.memory_space<hbm>> -> memref<32x768xf32, #tpu.memory_space<hbm>>
      tpu.enqueue_dma source(%arg6 : memref<32x768xf32, #tpu.memory_space<vmem>>) target(%dma_start3A_298 : memref<32x768xf32, #tpu.memory_space<hbm>>) target_semaphore(%arg17 : memref<!tpu.dma_semaphore, #tpu.memory_space<semaphore_mem>>)
      %dma_wait3A_299 = arith.constant 0 : i32
      %dma_wait3A_300 = tpu.memref_slice %arg4[%add3A_294, %dma_wait3A_299] : memref<8192x768xf32, #tpu.memory_space<hbm>> -> memref<32x768xf32, #tpu.memory_space<hbm>>
      %dma_wait3A_301 = arith.constant 0 : i32
      %dma_wait3A_302 = tpu.memref_slice %arg4[%add3A_294, %dma_wait3A_301] : memref<8192x768xf32, #tpu.memory_space<hbm>> -> memref<32x768xf32, #tpu.memory_space<hbm>>
      tpu.wait_dma2 semaphore(%arg17 : memref<!tpu.dma_semaphore, #tpu.memory_space<semaphore_mem>>) src(%arg6 : memref<32x768xf32, #tpu.memory_space<vmem>>) dst(%dma_wait3A_302 : memref<32x768xf32, #tpu.memory_space<hbm>>)
      %dma_start3A_303 = arith.constant 160 : i32
      %dma_start3A_304 = tpu.memref_slice %arg5[%dma_start3A_303] : memref<256xi32, #tpu.memory_space<vmem>> -> memref<32xi32, #tpu.memory_space<vmem>>
      %dma_start3A_305 = arith.constant 0 : i32
      %dma_start3A_306 = arith.constant 0 : i32
      %dma_start3A_307 = tpu.memref_slice %arg2[%dma_start3A_305, %dma_start3A_306] : memref<8192x768xf32, #tpu.memory_space<hbm>> -> memref<8192x768xf32, #tpu.memory_space<hbm>>
      tpu.enqueue_indirect_dma source(%dma_start3A_307 : memref<8192x768xf32, #tpu.memory_space<hbm>>) target(%arg6 : memref<32x768xf32, #tpu.memory_space<vmem>>) offsets(%dma_start3A_304 : memref<32xi32, #tpu.memory_space<vmem>>) semaphore(%arg12 : memref<!tpu.dma_semaphore, #tpu.memory_space<semaphore_mem>>)
      %dma_wait3A_308 = arith.constant 32 : i32
      %dma_wait3A_309 = tpu.memref_slice %arg5[%dma_wait3A_308] : memref<256xi32, #tpu.memory_space<vmem>> -> memref<32xi32, #tpu.memory_space<vmem>>
      %dma_wait3A_310 = arith.constant 0 : i32
      %dma_wait3A_311 = arith.constant 0 : i32
      %dma_wait3A_312 = tpu.memref_slice %arg2[%dma_wait3A_310, %dma_wait3A_311] : memref<8192x768xf32, #tpu.memory_space<hbm>> -> memref<8192x768xf32, #tpu.memory_space<hbm>>
      tpu.wait_indirect_dma semaphore(%arg13 : memref<!tpu.dma_semaphore, #tpu.memory_space<semaphore_mem>>) src(%dma_wait3A_312 : memref<8192x768xf32, #tpu.memory_space<hbm>>) dst(%arg7 : memref<32x768xf32, #tpu.memory_space<vmem>>)
      %add3A_313 = arith.constant 32 : i32
      %add3A_314 = arith.addi %mul3A_5, %add3A_313 : i32
      %dma_start3A_315 = arith.constant 0 : i32
      %dma_start3A_316 = tpu.memref_slice %arg4[%add3A_314, %dma_start3A_315] : memref<8192x768xf32, #tpu.memory_space<hbm>> -> memref<32x768xf32, #tpu.memory_space<hbm>>
      %dma_start3A_317 = arith.constant 0 : i32
      %dma_start3A_318 = tpu.memref_slice %arg4[%add3A_314, %dma_start3A_317] : memref<8192x768xf32, #tpu.memory_space<hbm>> -> memref<32x768xf32, #tpu.memory_space<hbm>>
      tpu.enqueue_dma source(%arg7 : memref<32x768xf32, #tpu.memory_space<vmem>>) target(%dma_start3A_318 : memref<32x768xf32, #tpu.memory_space<hbm>>) target_semaphore(%arg18 : memref<!tpu.dma_semaphore, #tpu.memory_space<semaphore_mem>>)
      %dma_wait3A_319 = arith.constant 0 : i32
      %dma_wait3A_320 = tpu.memref_slice %arg4[%add3A_314, %dma_wait3A_319] : memref<8192x768xf32, #tpu.memory_space<hbm>> -> memref<32x768xf32, #tpu.memory_space<hbm>>
      %dma_wait3A_321 = arith.constant 0 : i32
      %dma_wait3A_322 = tpu.memref_slice %arg4[%add3A_314, %dma_wait3A_321] : memref<8192x768xf32, #tpu.memory_space<hbm>> -> memref<32x768xf32, #tpu.memory_space<hbm>>
      tpu.wait_dma2 semaphore(%arg18 : memref<!tpu.dma_semaphore, #tpu.memory_space<semaphore_mem>>) src(%arg7 : memref<32x768xf32, #tpu.memory_space<vmem>>) dst(%dma_wait3A_322 : memref<32x768xf32, #tpu.memory_space<hbm>>)
      %dma_start3A_323 = arith.constant 192 : i32
      %dma_start3A_324 = tpu.memref_slice %arg5[%dma_start3A_323] : memref<256xi32, #tpu.memory_space<vmem>> -> memref<32xi32, #tpu.memory_space<vmem>>
      %dma_start3A_325 = arith.constant 0 : i32
      %dma_start3A_326 = arith.constant 0 : i32
      %dma_start3A_327 = tpu.memref_slice %arg2[%dma_start3A_325, %dma_start3A_326] : memref<8192x768xf32, #tpu.memory_space<hbm>> -> memref<8192x768xf32, #tpu.memory_space<hbm>>
      tpu.enqueue_indirect_dma source(%dma_start3A_327 : memref<8192x768xf32, #tpu.memory_space<hbm>>) target(%arg7 : memref<32x768xf32, #tpu.memory_space<vmem>>) offsets(%dma_start3A_324 : memref<32xi32, #tpu.memory_space<vmem>>) semaphore(%arg13 : memref<!tpu.dma_semaphore, #tpu.memory_space<semaphore_mem>>)
      %dma_wait3A_328 = arith.constant 64 : i32
      %dma_wait3A_329 = tpu.memref_slice %arg5[%dma_wait3A_328] : memref<256xi32, #tpu.memory_space<vmem>> -> memref<32xi32, #tpu.memory_space<vmem>>
      %dma_wait3A_330 = arith.constant 0 : i32
      %dma_wait3A_331 = arith.constant 0 : i32
      %dma_wait3A_332 = tpu.memref_slice %arg2[%dma_wait3A_330, %dma_wait3A_331] : memref<8192x768xf32, #tpu.memory_space<hbm>> -> memref<8192x768xf32, #tpu.memory_space<hbm>>
      tpu.wait_indirect_dma semaphore(%arg14 : memref<!tpu.dma_semaphore, #tpu.memory_space<semaphore_mem>>) src(%dma_wait3A_332 : memref<8192x768xf32, #tpu.memory_space<hbm>>) dst(%arg8 : memref<32x768xf32, #tpu.memory_space<vmem>>)
      %add3A_333 = arith.constant 64 : i32
      %add3A_334 = arith.addi %mul3A_5, %add3A_333 : i32
      %dma_start3A_335 = arith.constant 0 : i32
      %dma_start3A_336 = tpu.memref_slice %arg4[%add3A_334, %dma_start3A_335] : memref<8192x768xf32, #tpu.memory_space<hbm>> -> memref<32x768xf32, #tpu.memory_space<hbm>>
      %dma_start3A_337 = arith.constant 0 : i32
      %dma_start3A_338 = tpu.memref_slice %arg4[%add3A_334, %dma_start3A_337] : memref<8192x768xf32, #tpu.memory_space<hbm>> -> memref<32x768xf32, #tpu.memory_space<hbm>>
      tpu.enqueue_dma source(%arg8 : memref<32x768xf32, #tpu.memory_space<vmem>>) target(%dma_start3A_338 : memref<32x768xf32, #tpu.memory_space<hbm>>) target_semaphore(%arg19 : memref<!tpu.dma_semaphore, #tpu.memory_space<semaphore_mem>>)
      %dma_wait3A_339 = arith.constant 0 : i32
      %dma_wait3A_340 = tpu.memref_slice %arg4[%add3A_334, %dma_wait3A_339] : memref<8192x768xf32, #tpu.memory_space<hbm>> -> memref<32x768xf32, #tpu.memory_space<hbm>>
      %dma_wait3A_341 = arith.constant 0 : i32
      %dma_wait3A_342 = tpu.memref_slice %arg4[%add3A_334, %dma_wait3A_341] : memref<8192x768xf32, #tpu.memory_space<hbm>> -> memref<32x768xf32, #tpu.memory_space<hbm>>
      tpu.wait_dma2 semaphore(%arg19 : memref<!tpu.dma_semaphore, #tpu.memory_space<semaphore_mem>>) src(%arg8 : memref<32x768xf32, #tpu.memory_space<vmem>>) dst(%dma_wait3A_342 : memref<32x768xf32, #tpu.memory_space<hbm>>)
      %dma_start3A_343 = arith.constant 224 : i32
      %dma_start3A_344 = tpu.memref_slice %arg5[%dma_start3A_343] : memref<256xi32, #tpu.memory_space<vmem>> -> memref<32xi32, #tpu.memory_space<vmem>>
      %dma_start3A_345 = arith.constant 0 : i32
      %dma_start3A_346 = arith.constant 0 : i32
      %dma_start3A_347 = tpu.memref_slice %arg2[%dma_start3A_345, %dma_start3A_346] : memref<8192x768xf32, #tpu.memory_space<hbm>> -> memref<8192x768xf32, #tpu.memory_space<hbm>>
      tpu.enqueue_indirect_dma source(%dma_start3A_347 : memref<8192x768xf32, #tpu.memory_space<hbm>>) target(%arg8 : memref<32x768xf32, #tpu.memory_space<vmem>>) offsets(%dma_start3A_344 : memref<32xi32, #tpu.memory_space<vmem>>) semaphore(%arg14 : memref<!tpu.dma_semaphore, #tpu.memory_space<semaphore_mem>>)
      %dma_wait3A_348 = arith.constant 96 : i32
      %dma_wait3A_349 = tpu.memref_slice %arg5[%dma_wait3A_348] : memref<256xi32, #tpu.memory_space<vmem>> -> memref<32xi32, #tpu.memory_space<vmem>>
      %dma_wait3A_350 = arith.constant 0 : i32
      %dma_wait3A_351 = arith.constant 0 : i32
      %dma_wait3A_352 = tpu.memref_slice %arg2[%dma_wait3A_350, %dma_wait3A_351] : memref<8192x768xf32, #tpu.memory_space<hbm>> -> memref<8192x768xf32, #tpu.memory_space<hbm>>
      tpu.wait_indirect_dma semaphore(%arg15 : memref<!tpu.dma_semaphore, #tpu.memory_space<semaphore_mem>>) src(%dma_wait3A_352 : memref<8192x768xf32, #tpu.memory_space<hbm>>) dst(%arg9 : memref<32x768xf32, #tpu.memory_space<vmem>>)
      %add3A_353 = arith.constant 96 : i32
      %add3A_354 = arith.addi %mul3A_5, %add3A_353 : i32
      %dma_start3A_355 = arith.constant 0 : i32
      %dma_start3A_356 = tpu.memref_slice %arg4[%add3A_354, %dma_start3A_355] : memref<8192x768xf32, #tpu.memory_space<hbm>> -> memref<32x768xf32, #tpu.memory_space<hbm>>
      %dma_start3A_357 = arith.constant 0 : i32
      %dma_start3A_358 = tpu.memref_slice %arg4[%add3A_354, %dma_start3A_357] : memref<8192x768xf32, #tpu.memory_space<hbm>> -> memref<32x768xf32, #tpu.memory_space<hbm>>
      tpu.enqueue_dma source(%arg9 : memref<32x768xf32, #tpu.memory_space<vmem>>) target(%dma_start3A_358 : memref<32x768xf32, #tpu.memory_space<hbm>>) target_semaphore(%arg20 : memref<!tpu.dma_semaphore, #tpu.memory_space<semaphore_mem>>)
      %dma_wait3A_359 = arith.constant 128 : i32
      %dma_wait3A_360 = tpu.memref_slice %arg5[%dma_wait3A_359] : memref<256xi32, #tpu.memory_space<vmem>> -> memref<32xi32, #tpu.memory_space<vmem>>
      %dma_wait3A_361 = arith.constant 0 : i32
      %dma_wait3A_362 = arith.constant 0 : i32
      %dma_wait3A_363 = tpu.memref_slice %arg2[%dma_wait3A_361, %dma_wait3A_362] : memref<8192x768xf32, #tpu.memory_space<hbm>> -> memref<8192x768xf32, #tpu.memory_space<hbm>>
      tpu.wait_indirect_dma semaphore(%arg16 : memref<!tpu.dma_semaphore, #tpu.memory_space<semaphore_mem>>) src(%dma_wait3A_363 : memref<8192x768xf32, #tpu.memory_space<hbm>>) dst(%arg10 : memref<32x768xf32, #tpu.memory_space<vmem>>)
      %add3A_364 = arith.constant 128 : i32
      %add3A_365 = arith.addi %mul3A_5, %add3A_364 : i32
      %dma_start3A_366 = arith.constant 0 : i32
      %dma_start3A_367 = tpu.memref_slice %arg4[%add3A_365, %dma_start3A_366] : memref<8192x768xf32, #tpu.memory_space<hbm>> -> memref<32x768xf32, #tpu.memory_space<hbm>>
      %dma_start3A_368 = arith.constant 0 : i32
      %dma_start3A_369 = tpu.memref_slice %arg4[%add3A_365, %dma_start3A_368] : memref<8192x768xf32, #tpu.memory_space<hbm>> -> memref<32x768xf32, #tpu.memory_space<hbm>>
      tpu.enqueue_dma source(%arg10 : memref<32x768xf32, #tpu.memory_space<vmem>>) target(%dma_start3A_369 : memref<32x768xf32, #tpu.memory_space<hbm>>) target_semaphore(%arg21 : memref<!tpu.dma_semaphore, #tpu.memory_space<semaphore_mem>>)
      %dma_wait3A_370 = arith.constant 160 : i32
      %dma_wait3A_371 = tpu.memref_slice %arg5[%dma_wait3A_370] : memref<256xi32, #tpu.memory_space<vmem>> -> memref<32xi32, #tpu.memory_space<vmem>>
      %dma_wait3A_372 = arith.constant 0 : i32
      %dma_wait3A_373 = arith.constant 0 : i32
      %dma_wait3A_374 = tpu.memref_slice %arg2[%dma_wait3A_372, %dma_wait3A_373] : memref<8192x768xf32, #tpu.memory_space<hbm>> -> memref<8192x768xf32, #tpu.memory_space<hbm>>
      tpu.wait_indirect_dma semaphore(%arg12 : memref<!tpu.dma_semaphore, #tpu.memory_space<semaphore_mem>>) src(%dma_wait3A_374 : memref<8192x768xf32, #tpu.memory_space<hbm>>) dst(%arg6 : memref<32x768xf32, #tpu.memory_space<vmem>>)
      %add3A_375 = arith.constant 160 : i32
      %add3A_376 = arith.addi %mul3A_5, %add3A_375 : i32
      %dma_start3A_377 = arith.constant 0 : i32
      %dma_start3A_378 = tpu.memref_slice %arg4[%add3A_376, %dma_start3A_377] : memref<8192x768xf32, #tpu.memory_space<hbm>> -> memref<32x768xf32, #tpu.memory_space<hbm>>
      %dma_start3A_379 = arith.constant 0 : i32
      %dma_start3A_380 = tpu.memref_slice %arg4[%add3A_376, %dma_start3A_379] : memref<8192x768xf32, #tpu.memory_space<hbm>> -> memref<32x768xf32, #tpu.memory_space<hbm>>
      tpu.enqueue_dma source(%arg6 : memref<32x768xf32, #tpu.memory_space<vmem>>) target(%dma_start3A_380 : memref<32x768xf32, #tpu.memory_space<hbm>>) target_semaphore(%arg17 : memref<!tpu.dma_semaphore, #tpu.memory_space<semaphore_mem>>)
      %dma_wait3A_381 = arith.constant 192 : i32
      %dma_wait3A_382 = tpu.memref_slice %arg5[%dma_wait3A_381] : memref<256xi32, #tpu.memory_space<vmem>> -> memref<32xi32, #tpu.memory_space<vmem>>
      %dma_wait3A_383 = arith.constant 0 : i32
      %dma_wait3A_384 = arith.constant 0 : i32
      %dma_wait3A_385 = tpu.memref_slice %arg2[%dma_wait3A_383, %dma_wait3A_384] : memref<8192x768xf32, #tpu.memory_space<hbm>> -> memref<8192x768xf32, #tpu.memory_space<hbm>>
      tpu.wait_indirect_dma semaphore(%arg13 : memref<!tpu.dma_semaphore, #tpu.memory_space<semaphore_mem>>) src(%dma_wait3A_385 : memref<8192x768xf32, #tpu.memory_space<hbm>>) dst(%arg7 : memref<32x768xf32, #tpu.memory_space<vmem>>)
      %add3A_386 = arith.constant 192 : i32
      %add3A_387 = arith.addi %mul3A_5, %add3A_386 : i32
      %dma_start3A_388 = arith.constant 0 : i32
      %dma_start3A_389 = tpu.memref_slice %arg4[%add3A_387, %dma_start3A_388] : memref<8192x768xf32, #tpu.memory_space<hbm>> -> memref<32x768xf32, #tpu.memory_space<hbm>>
      %dma_start3A_390 = arith.constant 0 : i32
      %dma_start3A_391 = tpu.memref_slice %arg4[%add3A_387, %dma_start3A_390] : memref<8192x768xf32, #tpu.memory_space<hbm>> -> memref<32x768xf32, #tpu.memory_space<hbm>>
      tpu.enqueue_dma source(%arg7 : memref<32x768xf32, #tpu.memory_space<vmem>>) target(%dma_start3A_391 : memref<32x768xf32, #tpu.memory_space<hbm>>) target_semaphore(%arg18 : memref<!tpu.dma_semaphore, #tpu.memory_space<semaphore_mem>>)
      %dma_wait3A_392 = arith.constant 224 : i32
      %dma_wait3A_393 = tpu.memref_slice %arg5[%dma_wait3A_392] : memref<256xi32, #tpu.memory_space<vmem>> -> memref<32xi32, #tpu.memory_space<vmem>>
      %dma_wait3A_394 = arith.constant 0 : i32
      %dma_wait3A_395 = arith.constant 0 : i32
      %dma_wait3A_396 = tpu.memref_slice %arg2[%dma_wait3A_394, %dma_wait3A_395] : memref<8192x768xf32, #tpu.memory_space<hbm>> -> memref<8192x768xf32, #tpu.memory_space<hbm>>
      tpu.wait_indirect_dma semaphore(%arg14 : memref<!tpu.dma_semaphore, #tpu.memory_space<semaphore_mem>>) src(%dma_wait3A_396 : memref<8192x768xf32, #tpu.memory_space<hbm>>) dst(%arg8 : memref<32x768xf32, #tpu.memory_space<vmem>>)
      %add3A_397 = arith.constant 224 : i32
      %add3A_398 = arith.addi %mul3A_5, %add3A_397 : i32
      %dma_start3A_399 = arith.constant 0 : i32
      %dma_start3A_400 = tpu.memref_slice %arg4[%add3A_398, %dma_start3A_399] : memref<8192x768xf32, #tpu.memory_space<hbm>> -> memref<32x768xf32, #tpu.memory_space<hbm>>
      %dma_start3A_401 = arith.constant 0 : i32
      %dma_start3A_402 = tpu.memref_slice %arg4[%add3A_398, %dma_start3A_401] : memref<8192x768xf32, #tpu.memory_space<hbm>> -> memref<32x768xf32, #tpu.memory_space<hbm>>
      tpu.enqueue_dma source(%arg8 : memref<32x768xf32, #tpu.memory_space<vmem>>) target(%dma_start3A_402 : memref<32x768xf32, #tpu.memory_space<hbm>>) target_semaphore(%arg19 : memref<!tpu.dma_semaphore, #tpu.memory_space<semaphore_mem>>)
      %dma_wait3A_403 = arith.constant 0 : i32
      %dma_wait3A_404 = tpu.memref_slice %arg4[%add3A_354, %dma_wait3A_403] : memref<8192x768xf32, #tpu.memory_space<hbm>> -> memref<32x768xf32, #tpu.memory_space<hbm>>
      %dma_wait3A_405 = arith.constant 0 : i32
      %dma_wait3A_406 = tpu.memref_slice %arg4[%add3A_354, %dma_wait3A_405] : memref<8192x768xf32, #tpu.memory_space<hbm>> -> memref<32x768xf32, #tpu.memory_space<hbm>>
      tpu.wait_dma2 semaphore(%arg20 : memref<!tpu.dma_semaphore, #tpu.memory_space<semaphore_mem>>) src(%arg9 : memref<32x768xf32, #tpu.memory_space<vmem>>) dst(%dma_wait3A_406 : memref<32x768xf32, #tpu.memory_space<hbm>>)
      %dma_wait3A_407 = arith.constant 0 : i32
      %dma_wait3A_408 = tpu.memref_slice %arg4[%add3A_365, %dma_wait3A_407] : memref<8192x768xf32, #tpu.memory_space<hbm>> -> memref<32x768xf32, #tpu.memory_space<hbm>>
      %dma_wait3A_409 = arith.constant 0 : i32
      %dma_wait3A_410 = tpu.memref_slice %arg4[%add3A_365, %dma_wait3A_409] : memref<8192x768xf32, #tpu.memory_space<hbm>> -> memref<32x768xf32, #tpu.memory_space<hbm>>
      tpu.wait_dma2 semaphore(%arg21 : memref<!tpu.dma_semaphore, #tpu.memory_space<semaphore_mem>>) src(%arg10 : memref<32x768xf32, #tpu.memory_space<vmem>>) dst(%dma_wait3A_410 : memref<32x768xf32, #tpu.memory_space<hbm>>)
      %dma_wait3A_411 = arith.constant 0 : i32
      %dma_wait3A_412 = tpu.memref_slice %arg4[%add3A_376, %dma_wait3A_411] : memref<8192x768xf32, #tpu.memory_space<hbm>> -> memref<32x768xf32, #tpu.memory_space<hbm>>
      %dma_wait3A_413 = arith.constant 0 : i32
      %dma_wait3A_414 = tpu.memref_slice %arg4[%add3A_376, %dma_wait3A_413] : memref<8192x768xf32, #tpu.memory_space<hbm>> -> memref<32x768xf32, #tpu.memory_space<hbm>>
      tpu.wait_dma2 semaphore(%arg17 : memref<!tpu.dma_semaphore, #tpu.memory_space<semaphore_mem>>) src(%arg6 : memref<32x768xf32, #tpu.memory_space<vmem>>) dst(%dma_wait3A_414 : memref<32x768xf32, #tpu.memory_space<hbm>>)
      %dma_wait3A_415 = arith.constant 0 : i32
      %dma_wait3A_416 = tpu.memref_slice %arg4[%add3A_387, %dma_wait3A_415] : memref<8192x768xf32, #tpu.memory_space<hbm>> -> memref<32x768xf32, #tpu.memory_space<hbm>>
      %dma_wait3A_417 = arith.constant 0 : i32
      %dma_wait3A_418 = tpu.memref_slice %arg4[%add3A_387, %dma_wait3A_417] : memref<8192x768xf32, #tpu.memory_space<hbm>> -> memref<32x768xf32, #tpu.memory_space<hbm>>
      tpu.wait_dma2 semaphore(%arg18 : memref<!tpu.dma_semaphore, #tpu.memory_space<semaphore_mem>>) src(%arg7 : memref<32x768xf32, #tpu.memory_space<vmem>>) dst(%dma_wait3A_418 : memref<32x768xf32, #tpu.memory_space<hbm>>)
      %dma_wait3A_419 = arith.constant 0 : i32
      %dma_wait3A_420 = tpu.memref_slice %arg4[%add3A_398, %dma_wait3A_419] : memref<8192x768xf32, #tpu.memory_space<hbm>> -> memref<32x768xf32, #tpu.memory_space<hbm>>
      %dma_wait3A_421 = arith.constant 0 : i32
      %dma_wait3A_422 = tpu.memref_slice %arg4[%add3A_398, %dma_wait3A_421] : memref<8192x768xf32, #tpu.memory_space<hbm>> -> memref<32x768xf32, #tpu.memory_space<hbm>>
      tpu.wait_dma2 semaphore(%arg19 : memref<!tpu.dma_semaphore, #tpu.memory_space<semaphore_mem>>) src(%arg8 : memref<32x768xf32, #tpu.memory_space<vmem>>) dst(%dma_wait3A_422 : memref<32x768xf32, #tpu.memory_space<hbm>>)
    } else {
    }
    return
  }
}

</mosaic_0001>

<sc_bundles>
// kernel: kernel.3.cloned.1.call-start
scs
__scs_entry_jumppad:
0x0: {  	(pc) =	sbr.rel $0x88, $3  }
0x1: {  	(tag) =	ssettag $0x0;
	lr =	simm.s32 $0x1  }
0x2: {  	[smem:$0x3F9F] =	sst lr;
	_ =	strace $0xD0000000  }
0x3: {  	_ = 	snop  }
0x4: {  	_ = 	snop  }
0x5: {  	_ = 	snop  }
0x6: {  	_ = 	snop  }
0x7: {  	_ = 	snop  }
__scs_overlays_trampoline_lowered:
0x8: {  	[smem:$0x3FAE] =	sst s0  }
0x9: {  	[smem:$0x3FAF] =	sst s1  }
0xa: {  	[smem:$0x3FB0] =	sst s2  }
0xb: {  	[smem:$0x3FB1] =	sst s3  }
0xc: {  	[smem:$0x3FB2] =	sst s4  }
0xd: {  	[smem:$0x3FB3] =	sst s5  }
0xe: {  	[smem:$0x3FB4] =	sst s6  }
0xf: {  	[smem:$0x3FB5] =	sst s7  }
0x10: {  	[smem:$0x3FB6] =	sst s8  }
0x11: {  	[smem:$0x3FB7] =	sst s9;
	s0 =	simm.s32 @!p0 $0x0  }
0x12: {  	s1 =	sld [smem:$0x3F9D];
	s0 =	simm.s32 @p0 $0x1  }
0x13: {  	[smem:$0x3FB8] =	sst s0;
	s0 =	simm.s32 @!p1 $0x0  }
0x14: {  	s2 =	sld [smem:$0x3F9C];
	s0 =	simm.s32 @p1 $0x1  }
0x15: {  	[smem:$0x3FB9] =	sst s0;
	s0 =	simm.s32 @!p2 $0x0  }
0x16: {  	s3 =	sld [smem:$0x3FDB];
	s0 =	simm.s32 @p2 $0x1  }
0x17: {  	s4 =	simm.s32 $0x1BF5;
	[smem:$0x3FBB] =	sst s0  }
0x18: {  	s0 =	sld [smem:$0x3F9E];
	_ =	swait.ge [sflag:s4], $0x0  }
0x19: {  	s7 =	sld [smem:$0x3F9F]  }
0x1a: {  	s8 =	sadd.s32 $0xFFFFE003, lr  }
0x1b: {  	s9 =	sadd.s32 $0xFFFFFEF7, lr;
	s5 =	simm.s32 $0xFFFFFFFF;
	p2 =	slt.u32 s8, $0xFFFFF086  }
0x1c: {  	p1 =	slt.u32 s9, $0xF7A;
	s5 =	simm.s32 @!p2 $0x0  }
0x1d: {  	s5 =	simm.s32 @p1 $0x1;
	p0 =	seq.s32 s7, s2  }
0x1e: {  	s7 =	smul.u32 @!p0 $0xF7A, s2;
	p2 =	seq.s32 @!p0 s5, $0x0  }
0x1f: {  	s9 =	smul.u32 $0xF7A, s1;
	s8 =	simm.s32 @!p0 $0x1BF5;
	p2 =	por !p2, p0  }
0x20: {  	[sflag:s8] =	ssyncset.s32 @!p0 $0xFFFFF086;
	s6 =	sadd.s32 @!p0 s3, s7;
	s7 =	simm.s32 @!p0 $0x108  }
0x21: {  	s3 =	sadd.s32 s3, s9;
	s6 =	sadd.s32 @!p0 $0x88, s6;
	s7 =	simm.s32 @p2 $0x1082  }
0x22: {  	[simem:s7], [sflag:s8] =	dma.local @!p0 [hbm:s6], $0xF7A  }
0x23: {  	s9 =	sor.u32 $0xD0000000, s2;
	s6 =	simm.s32 $0x108;
	_ =	swait.ge @!p0 [sflag:s8], $0x0  }
0x24: {  	s3 =	sadd.s32 $0x88, s3;
	s6 =	simm.s32 @!p1 $0x1082;
	[sflag:s4] =	ssyncset.s32 $0xFFFFF086  }
0x25: {  	[simem:s6], [sflag:s4] =	dma.local [hbm:s3], $0xF7A  }
0x26: {  	[smem:$0x3F9F] =	sst s1;
	(tag) =	ssettag s2;
	_ =	strace s9  }
0x27: {  	s1 =	sld [smem:$0x3FAF]  }
0x28: {  	s2 =	sld [smem:$0x3FB0]  }
0x29: {  	s4 =	sld [smem:$0x3FB2]  }
0x2a: {  	p0 =	seq.s32 s5, $0x0;
	s5 =	sld [smem:$0x3FB3]  }
0x2b: {  	s6 =	sld [smem:$0x3FB4]  }
0x2c: {  	s7 =	sld [smem:$0x3FB5]  }
0x2d: {  	s3 =	simm.s32 $0x108;
	s8 =	sld [smem:$0x3FB6]  }
0x2e: {  	s3 =	simm.s32 @!p0 $0x1082;
	s9 =	sld [smem:$0x3FB7]  }
0x2f: {  	lr =	sadd.s32 s0, s3;
	s0 =	sld [smem:$0x3FAE]  }
0x30: {  	s3 =	sld [smem:$0x3FB1]  }
0x31: {  	[smem:$0x3FBA] =	sst s10  }
0x32: {  	s10 =	sld [smem:$0x3FB8];
	_ =	sdelay $0x3  }
0x33: {  	p0 =	seq.s32 s10, $0x1;
	s10 =	sld [smem:$0x3FBA];
	_ =	sdelay $0x3  }
0x34: {  	[smem:$0x3FBA] =	sst s10  }
0x35: {  	s10 =	sld [smem:$0x3FB9];
	_ =	sdelay $0x3  }
0x36: {  	p1 =	seq.s32 s10, $0x1;
	s10 =	sld [smem:$0x3FBA];
	_ =	sdelay $0x3  }
0x37: {  	[smem:$0x3FBA] =	sst s10  }
0x38: {  	s10 =	sld [smem:$0x3FBB]  }
0x39: {  	_ = 	snop;
	(pc) =	sbr.ind lr, $3  }
0x3a: {  	_ = 	snop  }
0x3b: {  	_ = 	snop  }
0x3c: {  	p2 =	seq.s32 s10, $0x1;
	s10 =	sld [smem:$0x3FBA]  }
0x3d: {  	_ =	shalt  }
0x3e: {  	_ =	shalt  }
0x3f: {  	_ =	shalt  }
0x40: {  	_ =	shalt  }
0x41: {  	_ =	shalt  }
0x42: {  	_ =	shalt  }
0x43: {  	_ =	shalt  }
0x44: {  	_ =	shalt  }
0x45: {  	_ =	shalt  }
0x46: {  	_ =	shalt  }
0x47: {  	_ =	shalt  }
0x48: {  	_ =	shalt  }
0x49: {  	_ =	shalt  }
0x4a: {  	_ =	shalt  }
0x4b: {  	_ =	shalt  }
0x4c: {  	_ =	shalt  }
0x4d: {  	_ =	shalt  }
0x4e: {  	_ =	shalt  }
0x4f: {  	_ =	shalt  }
0x50: {  	_ =	shalt  }
0x51: {  	_ =	shalt  }
0x52: {  	_ =	shalt  }
0x53: {  	_ =	shalt  }
0x54: {  	_ =	shalt  }
0x55: {  	_ =	shalt  }
0x56: {  	_ =	shalt  }
0x57: {  	_ =	shalt  }
0x58: {  	_ =	shalt  }
0x59: {  	_ =	shalt  }
0x5a: {  	_ =	shalt  }
0x5b: {  	_ =	shalt  }
0x5c: {  	_ =	shalt  }
0x5d: {  	_ =	shalt  }
0x5e: {  	_ =	shalt  }
0x5f: {  	_ =	shalt  }
0x60: {  	_ =	shalt  }
0x61: {  	_ =	shalt  }
0x62: {  	_ =	shalt  }
0x63: {  	_ =	shalt  }
0x64: {  	_ =	shalt  }
0x65: {  	_ =	shalt  }
0x66: {  	_ =	shalt  }
0x67: {  	_ =	shalt  }
0x68: {  	_ =	shalt  }
0x69: {  	_ =	shalt  }
0x6a: {  	_ =	shalt  }
0x6b: {  	_ =	shalt  }
0x6c: {  	_ =	shalt  }
0x6d: {  	_ =	shalt  }
0x6e: {  	_ =	shalt  }
0x6f: {  	_ =	shalt  }
0x70: {  	_ =	shalt  }
0x71: {  	_ =	shalt  }
0x72: {  	_ =	shalt  }
0x73: {  	_ =	shalt  }
0x74: {  	_ =	shalt  }
0x75: {  	_ =	shalt  }
0x76: {  	_ =	shalt  }
0x77: {  	_ =	shalt  }
0x78: {  	_ =	shalt  }
0x79: {  	_ =	shalt  }
0x7a: {  	_ =	shalt  }
0x7b: {  	_ =	shalt  }
0x7c: {  	_ =	shalt  }
0x7d: {  	_ =	shalt  }
0x7e: {  	_ =	shalt  }
0x7f: {  	_ =	shalt  }
0x80: {  	_ =	shalt  }
0x81: {  	_ =	shalt  }
0x82: {  	_ =	shalt  }
0x83: {  	_ =	shalt  }
0x84: {  	_ =	shalt  }
0x85: {  	_ =	shalt  }
0x86: {  	_ =	shalt  }
0x87: {  	_ =	shalt  }
.Lfunc_end0:
.L_simem_size_0:
called_computation_lowered:
.L_overlay_start_0:
0x88: {  	s2 =	sld [smem:$0x3FD9]  }
0x89: {  	s3 =	sld [smem:$0x3FFE];
	_ =	sdelay $0x1  }
0x8a: {  	s1 =	srdreg.scid  }
0x8b: {  	s0 =	sand.u32 $0x1, s1  }
0x8c: {  	s18 =	sshll.u32 s0, $0xA;
	s2 =	sadd.s32 s3, s2  }
0x8d: {  	s2 =	sadd.s32 s2, s18  }
0x8e: {  	[smem:$0x3FC6] =	sst s2  }
0x8f: {  	_ = 	snop  }
0x90: {  	s2 =	sld [smem:$0x3FC9]  }
0x91: {  	s19 =	sld [smem:$0x3FC8]  }
0x92: {  	s4 =	sld [smem:$0x3FD0];
	(tm) =	ssettm $0x1  }
0x93: {  	s5 =	sld [smem:$0x3FFB];
	_ =	sdelay $0x3  }
0x94: {  	_ =	strace s5  }
0x95: {  	s5 =	sld [smem:$0x3FFC];
	_ =	sdelay $0x3  }
0x96: {  	_ =	strace s5  }
0x97: {  	s5 =	sld [smem:$0x3FFD];
	_ =	sdelay $0x3  }
0x98: {  	_ =	strace s5  }
0x99: {  	_ =	strace $0x8FFFFFFF  }
0x9a: {  	s20 =	sld [smem:$0x3FDB];
	_ =	sdelay $0x1  }
0x9b: {  	s6 =	simm.s32 $_scs_section_size  }
0x9c: {  	s7 =	simm.s32 $_size__tile_overlayer_lowered;
	s8 =	simm.s32 $_tile_overlayer_lowered  }
0x9d: {  	s23 =	simm.s32 $0x1BFF;
	s22 =	sshll.u32 s8, $0x1;
	s5 =	sadd.s32 s6, s20  }
0x9e: {  	s9 =	simm.s32 $0x0;
	s21 =	sshll.u32 s7, $0x1;
	s7 =	sadd.s32 s22, s5  }
0x9f: {  	[timem:s9], [sflag:s23] =	dma.local [hbm:s7], s21  }
0xa0: {  	_ =	swait.ge [sflag:s23], s21  }
0xa1: {  	s6 =	ssub.s32 $0x0, s21;
	[sflag:s23] =	ssyncset.done $0x0  }
0xa2: {  	[sflag:s23] =	ssyncadd.s32 s6;
	_ =	sdelay $0x1  }
0xa3: {  	s24 =	simm.s32 $0x1B8B  }
0xa4: {  	_ =	swait.ge [sflag:s24], $0x1  }
0xa5: {  	[sflag:s24] =	ssyncset.done $0x0  }
0xa6: {  	s25 =	simm.s32 $0x1B8E;
	[sflag:s24] =	ssyncadd.s32 $0xFFFFFFFF  }
0xa7: {  	s26 =	simm.s32 $execute0_lowered;
	[smem:$0x3FD2] =	sst s25  }
0xa8: {  	s6 =	sshll.u32 s26, $0x1;
	_ =	strace $0x80000046;
	[dreg:$0x1] =	wrdreg $0xFFFFFFFF  }
0xa9: {  	s28 =	simm.s32 $_size_execute0_lowered;
	s5 =	sadd.s32 s5, s6;
	[dreg:$0x0] =	wrdreg $0x0  }
0xaa: {  	s6 =	sshll.u32 s28, $0x1;
	[dreg:$0x2] =	wrdreg s5  }
0xab: {  	[dreg:$0x3] =	wrdreg s6  }
0xac: {  	[dreg:$0x4] =	wrdreg $0xC0  }
0xad: {  	_ =	task [dreg:s9], $0x5FFFF  }
0xae: {  	[dreg:$0x1] =	wrdreg $0xFFFFFFFF  }
0xaf: {  	[dreg:$0x0] =	wrdreg $0x60  }
0xb0: {  	[dreg:$0x2] =	wrdreg s2  }
0xb1: {  	[dreg:$0x3] =	wrdreg s19  }
0xb2: {  	[dreg:$0x4] =	wrdreg s4  }
0xb3: {  	[dreg:$0x5] =	wrdreg $0x9  }
0xb4: {  	_ =	task.clear_ibuf [dreg:s9], $0x6FFFF;
	_ =	strace $0x90000046  }
0xb5: {  	s29 =	simm.s32 $0x9;
	_ =	strace $0x80000048  }
0xb6: {  	_ =	swait.ge [sflag:s29], $0x1  }
0xb7: {  	[sflag:s29] =	ssyncadd.s32 $0xFFFFFFFF  }
0xb8: {  	_ =	strace $0x90000048  }
0xb9: {  	_ =	sfence  }
0xba: {  	s30 =	sld [smem:$0x0];
	_ =	sdelay $0x2  }
0xbb: {  	s31 =	sshll.u32 s1, $0xD;
	s1 =	sshrl.u32 s1, $0x2  }
0xbc: {  	s3 =	sand.u32 $0x4000, s31;
	s1 =	sadd.s32 s1, s30  }
0xbd: {  	s0 =	sor.u32 s3, s0;
	s1 =	sshll.u32 s1, $0x11  }
0xbe: {  	s0 =	sor.u32 s1, s0  }
0xbf: {  	s0 =	sadd.s32 $0x8F2B, s0  }
0xc0: {  	[sflag:s0] =	ssyncadd.remote.s32 $0x1  }
0xc1: {  	_ =	sfence.sel $0xFFFF  }
0xc2: {  	[dreg:$0x0] =	wrdreg $0xFFFFFFFF;
	(pc) =	sbr.abs _section_cstart, $3  }
0xc3: {  	[dreg:$0x1] =	wrdreg $0xFFFFFFFF  }
0xc4: {  	_ =	task.clear_ibuf [dreg:s9], $0x2FFFF;
	_ =	strace $0x9FFFFFFF  }
0xc5: {  	(tm) =	ssettm $0x7FFFFFFF  }
tec
execute0_lowered:
.L_overlay_start_1:
0x0: {  	(tag) =	ssettag $0x1  }
0x1: {  	s1 =	rddreg [dreg:$0x0];
	s0 =	srdreg.scid  }
0x2: {  	s3 =	rddreg [dreg:$0x2];
	s5 =	simm.s32 $0x0;
	s0 =	sand.u32 $0x1, s0  }
0x3: {  	s4 =	stileid.u32;
	[smem:$0x7FF] =	sst s5;
	s2 =	ssub.s32 $0x2, s0  }
0x4: {  	s4 =	sshll.u32 s4, $0x9;
	s0 =	sshll.u32 s0, $0x8;
	s7 =	sshrl.u32 s2, $0x1  }
0x5: {  	_ =	strace $0x80000047;
	s6 =	sor.u32 s0, s4;
	s0 =	ssub.s32 s2, s7  }
0x6: {  	s23 =	sor.u32 $0x20, s6;
	s13 =	sshrl.u32 s6, $0x3;
	s17 =	sor.u32 $0x60, s6  }
0x7: {  	s22 =	sor.u32 $0x40, s6;
	s14 =	smul.u32 $0x300, s13;
	s9 =	sshrl.u32 s17, $0x3  }
0x8: {  	s12 =	sor.u32 $0xC0, s6;
	s18 =	sshrl.u32 s23, $0x3;
	s9 =	smul.u32 $0x300, s9  }
0x9: {  	s8 =	sshrl.u32 s22, $0x3;
	s10 =	sshrl.u32 s12, $0x3;
	s7 =	smul.u32 $0x300, s18  }
0xa: {  	s25 =	smul.u32 $0x300, s10;
	s24 =	sadd.s32 s3, s14;
	[dreg:$0x4] =	wrdreg s9  }
0xb: {  	s8 =	smul.u32 $0x300, s8;
	[dreg:$0x1a] =	wrdreg s24  }
0xc: {  	s7 =	sadd.s32 s3, s7;
	[dreg:$0x8] =	wrdreg s25  }
0xd: {  	s10 =	sor.u32 $0xC00, s14;
	s26 =	sadd.s32 s3, s8;
	[dreg:$0x7] =	wrdreg s7  }
0xe: {  	s4 =	sor.u32 $0x1800, s14;
	s11 =	sadd.s32 s1, s10;
	[dreg:$0x9] =	wrdreg s26  }
0xf: {  	s2 =	smul.u32 $0x1800, s13;
	s13 =	sadd.s32 s1, s4;
	[dreg:$0xc] =	wrdreg s11  }
0x10: {  	s21 =	sor.u32 $0x80, s6;
	s4 =	sadd.s32 s3, s4;
	[dreg:$0xe] =	wrdreg s13  }
0x11: {  	s2 =	sshrl.u32 s2, $0x3;
	s25 =	sor.u32 $0x10, s6;
	[dreg:$0xf] =	wrdreg s4  }
0x12: {  	s19 =	sshrl.u32 s21, $0x3;
	s18 =	sadd.s32 $0x3000, s2;
	[smem:$0x7FD] =	sst s25  }
0x13: {  	s9 =	smul.u32 $0x300, s19;
	s19 =	sadd.s32 $0x3C00, s2;
	[dreg:$0x11] =	wrdreg s18  }
0x14: {  	[dreg:$0x12] =	wrdreg s19  }
0x15: {  	s26 =	sor.u32 $0x30, s6;
	[dreg:$0x5] =	wrdreg s9  }
0x16: {  	s16 =	sor.u32 $0xA0, s6;
	s11 =	sor.u32 $0x90, s6;
	[dreg:$0x1f] =	wrdreg s26  }
0x17: {  	s15 =	sor.u32 $0xE0, s6;
	s13 =	sor.u32 $0xB0, s6;
	[dreg:$0x1c] =	wrdreg s11  }
0x18: {  	s8 =	sshrl.u32 s15, $0x3;
	s18 =	sadd.s32 s1, s18;
	[dreg:$0x1b] =	wrdreg s13  }
0x19: {  	s7 =	smul.u32 $0x300, s8;
	s19 =	sadd.s32 s1, s19;
	[dreg:$0x16] =	wrdreg s18  }
0x1a: {  	s20 =	sshrl.u32 s16, $0x3;
	[dreg:$0x17] =	wrdreg s19  }
0x1b: {  	s9 =	smul.u32 $0x300, s20;
	s20 =	sadd.s32 $0x4800, s2;
	[dreg:$0xa] =	wrdreg s7  }
0x1c: {  	[dreg:$0x13] =	wrdreg s20  }
0x1d: {  	v18 =	vlaneseq.u32;
	s8 =	rddreg [dreg:$0x1f]  }
0x1e: {  	s29 =	simm.s32 $0x1;
	s30 =	simm.s32 $0x6;
	v4 =	vor.u32 s22, v18;
	s22 =	rddreg [dreg:$0x1c]  }
0x1f: {  	s31 =	simm.s32 $0x2;
	s28 =	sor.u32 $0xD0, s6;
	v2 =	vor.u32 s23, v18;
	s23 =	rddreg [dreg:$0x1b]  }
0x20: {  	v13 =	vor.u32 s28, v18;
	s28 =	simm.s32 $0x5100;
	s7 =	sadd.s32 s3, s10;
	[dreg:$0x6] =	wrdreg s9  }
0x21: {  	v8 =	vor.u32 s21, v18;
	s21 =	simm.s32 $0x5900;
	s3 =	sor.u32 $0x50, s6;
	[dreg:$0xd] =	wrdreg s7  }
0x22: {  	v10 =	vor.u32 s16, v18;
	s16 =	simm.s32 $0x8900;
	s20 =	sadd.s32 s1, s20;
	[dreg:$0x1e] =	wrdreg s3  }
0x23: {  	s24 =	smax.u32 s0, $0x1;
	s0 =	simm.s32 $0x7;
	[dreg:$0x18] =	wrdreg s20  }
0x24: {  	v14 =	vor.u32 s15, v18;
	s15 =	simm.s32 $0x8100;
	s9 =	sadd.s32 s1, s14;
	s7 =	sld [smem:$0x7FD]  }
0x25: {  	s25 =	sadd.s32 $0x100, s1;
	s14 =	sadd.s32 $0x2400, s2;
	[dreg:$0xb] =	wrdreg s9  }
0x26: {  	s26 =	sadd.s32 $0x200, s1;
	s2 =	sadd.s32 $0x5400, s2;
	[dreg:$0x10] =	wrdreg s14  }
0x27: {  	s11 =	simm.s32 $0x6100;
	s13 =	simm.s32 $0xC100;
	[dreg:$0x14] =	wrdreg s2  }
0x28: {  	s18 =	simm.s32 $0x12100;
	s9 =	sor.u32 $0x70, s6;
	s10 =	rddreg [dreg:$0x1e]  }
.Ltmp0:
0x29: {  	vm0 =	vmmov $0xffff;
	v16 =	vand.u32 $0x7, v18;
	v17 =	vshrl.u32 v18, $0x3;
	s14 =	sadd.s32 s1, s14;
	[dreg:$0x1d] =	wrdreg s9;
	(pc) =	sbr.rel .LBB2_1-.Ltmp0, $4  }
0x2a: {  	v17 =	vmul.u32 $0x8, v17;
	v0 =	vor.u32 s6, v18;
	v6 =	vor.u32 s17, v18;
	s19 =	simm.s32 $0x3;
	s4 =	sadd.s32 s1, s2;
	[dreg:$0x15] =	wrdreg s14  }
0x2b: {  	v12 =	vor.u32 s12, v18;
	s3 =	sor.u32 $0xF0, s6;
	s20 =	simm.s32 $0x8;
	v3 =	vor.u32 s8, v18;
	v9 =	vor.u32 s22, v18;
	[dreg:$0x19] =	wrdreg s4  }
0x2c: {  	v11 =	vor.u32 s23, v18;
	s22 =	simm.s32 $0x6900;
	s23 =	simm.s32 $0x7100;
	v15 =	vor.u32 s3, v18;
	v5 =	vor.u32 s10, v18;
	s17 =	rddreg [dreg:$0x1d]  }
0x2d: {  	s14 =	simm.s32 $0x100;
	s9 =	simm.s32 $0x18100;
	v1 =	vor.u32 s7, v18;
	v7 =	vor.u32 s17, v18;
	v18 =	vor.u32 $0x8, v18;
	s17 =	simm.s32 $0x9100  }
.LBB2_3:
0x2e: {  	v19 =	vadd.s32 s6, v0  }
0x2f: {  	v20 =	vadd.s32 s6, v1;
	v21 =	vadd.s32 s6, v2;
	v22 =	vadd.s32 s6, v3  }
0x30: {  	v23 =	vadd.s32 s6, v4;
	v24 =	vadd.s32 s6, v5;
	v25 =	vadd.s32 s6, v6  }
0x31: {  	v26 =	vadd.s32 s6, v7;
	v47 =	vadd.s32 s6, v8;
	v49 =	vadd.s32 s6, v9  }
0x32: {  	v51 =	vadd.s32 s6, v10;
	v53 =	vadd.s32 s6, v11;
	vm1 =	vgt.s32 v19, $0x0  }
0x33: {  	v58 =	vadd.s32 s6, v12;
	v19 =	vnsel vm1, $0x0, v19;
	vm1 =	vgt.s32 v20, $0x0  }
0x34: {  	v60 =	vadd.s32 s6, v14;
	v61 =	vadd.s32 s6, v15;
	v20 =	vnsel vm1, $0x0, v20  }
0x35: {  	v19 =	vmin.u32 v19, $0x1FFF;
	vm1 =	vgt.s32 v21, $0x0;
	v20 =	vmin.u32 v20, $0x1FFF  }
0x36: {  	v21 =	vnsel vm1, $0x0, v21;
	vm1 =	vgt.s32 v22, $0x0;
	v56 =	vshrl.u32 v19, $0x3  }
0x37: {  	v21 =	vmin.u32 v21, $0x1FFF;
	v22 =	vnsel vm1, $0x0, v22;
	vm1 =	vgt.s32 v23, $0x0  }
0x38: {  	[tilespmem:$0x0] =	vst v19;
	v22 =	vmin.u32 v22, $0x1FFF;
	v23 =	vnsel vm1, $0x0, v23;
	vm1 =	vgt.s32 v24, $0x0  }
0x39: {  	[tilespmem:$0x10] =	vst v20;
	v23 =	vmin.u32 v23, $0x1FFF;
	v24 =	vnsel vm1, $0x0, v24;
	vm1 =	vgt.s32 v25, $0x0  }
0x3a: {  	[tilespmem:$0x20] =	vst v21;
	v24 =	vmin.u32 v24, $0x1FFF;
	v25 =	vnsel vm1, $0x0, v25;
	vm1 =	vgt.s32 v26, $0x0  }
0x3b: {  	[tilespmem:$0x30] =	vst v22;
	v20 =	vmin.u32 v25, $0x1FFF;
	v48 =	vnsel vm1, $0x0, v26;
	vm1 =	vgt.s32 v47, $0x0  }
0x3c: {  	[tilespmem:$0x40] =	vst v23;
	v25 =	vmul.u32 $0x30, v56;
	v50 =	vnsel vm1, $0x0, v47;
	vm1 =	vgt.s32 v49, $0x0  }
0x3d: {  	v19 =	vand.u32 $0x7, v19;
	[tilespmem:$0x50] =	vst v24;
	v21 =	vmin.u32 v48, $0x1FFF;
	v52 =	vnsel vm1, $0x0, v49  }
0x3e: {  	[tilespmem:$0x60] =	vst v20;
	vm1 =	vgt.s32 v51, $0x0;
	v20 =	vmin.u32 v50, $0x1FFF;
	v19 =	vor.u32 v19, v25  }
0x3f: {  	[tilespmem:$0x70] =	vst v21;
	v54 =	vnsel vm1, $0x0, v51;
	vm1 =	vgt.s32 v53, $0x0;
	v23 =	vmin.u32 v52, $0x1FFF  }
0x40: {  	[tilespmem:$0x80] =	vst v20;
	v20 =	vadd.s32 s6, v13;
	v59 =	vperm.xlane v19, v16;
	v55 =	vnsel vm1, $0x0, v53  }
0x41: {  	v24 =	vmin.u32 v54, $0x1FFF;
	vm1 =	vgt.s32 v58, $0x0;
	[tilespmem:$0x90] =	vst v23;
	v57 =	vmin.u32 v55, $0x1FFF  }
0x42: {  	v22 =	vnsel vm1, $0x0, v58;
	vm1 =	vgt.s32 v20, $0x0;
	[tilespmem:$0xA0] =	vst v24;
	v23 =	vadd.s32 v17, v59  }
0x43: {  	v22 =	vmin.u32 v22, $0x1FFF;
	v20 =	vnsel vm1, $0x0, v20;
	[tilespmem:$0xB0] =	vst v57;
	vm1 =	vgt.s32 v60, $0x0  }
0x44: {  	[tilespmem:$0xC0] =	vst v22;
	v20 =	vmin.u32 v20, $0x1FFF;
	v62 =	vnsel vm1, $0x0, v60;
	vm1 =	vgt.s32 v61, $0x0  }
0x45: {  	[tilespmem:$0xD0] =	vst v20;
	v20 =	vnsel vm1, $0x0, v61;
	v63 =	vmin.u32 v62, $0x1FFF  }
0x46: {  	[tilespmem:$0xE0] =	vst v63;
	v20 =	vmin.u32 v20, $0x1FFF  }
0x47: {  	v19 =	vperm.xlane v19, v18;
	[tilespmem:$0xF0] =	vst v20  }
0x48: {  	[tilespmem:s14], [sflag:$0x1] =	stream.indirect_vreg.gather [hbm4b:s1+s5], $0x80, v23, vm0, $0xb8;
	[tilespmem:$0x1E180] =	vst v63  }
0x49: {  	s6 =	simm.s32 $0x900;
	v19 =	vadd.s32 v17, v19  }
0x4a: {  	[tilespmem:s6], [sflag:$0x1] =	stream.indirect_vreg.gather [hbm4b:s25+s5], $0x80, v23, vm0, $0xb8;
	[tilespmem:$0x1E180] =	vst v63  }
0x4b: {  	s7 =	simm.s32 $0x1100  }
0x4c: {  	[tilespmem:s7], [sflag:$0x1] =	stream.indirect_vreg.gather [hbm4b:s26+s5], $0x80, v23, vm0, $0xb8;
	[tilespmem:$0x1E180] =	vst v63  }
0x4d: {  	s8 =	simm.s32 $0x1900  }
0x4e: {  	[tilespmem:s8], [sflag:$0x1] =	stream.indirect_vreg.gather [hbm4b:s1+s5], $0x80, v19, vm0, $0xb8;
	[tilespmem:$0x1E180] =	vst v63  }
0x4f: {  	s10 =	simm.s32 $0x2100  }
0x50: {  	[tilespmem:s10], [sflag:$0x1] =	stream.indirect_vreg.gather [hbm4b:s25+s5], $0x80, v19, vm0, $0xb8;
	[tilespmem:$0x1E180] =	vst v63  }
0x51: {  	s12 =	simm.s32 $0x2900  }
0x52: {  	[tilespmem:s12], [sflag:$0x1] =	stream.indirect_vreg.gather [hbm4b:s26+s5], $0x80, v19, vm0, $0xb8;
	[tilespmem:$0x1E180] =	vst v63  }
0x53: {  	v19 =	vld [tilespmem:$0x10];
	_ =	sdelay $0x4  }
0x54: {  	v20 =	vshrl.u32 v19, $0x3  }
0x55: {  	v20 =	vmul.u32 $0x30, v20  }
0x56: {  	v19 =	vand.u32 $0x7, v19  }
0x57: {  	v19 =	vor.u32 v19, v20  }
0x58: {  	v20 =	vperm.xlane v19, v16;
	_ =	sdelay $0x1  }
0x59: {  	v20 =	vadd.s32 v17, v20;
	_ =	sdelay $0x3  }
0x5a: {  	s11 =	simm.s32 $0x3100;
	v19 =	vperm.xlane v19, v18  }
0x5b: {  	[tilespmem:s11], [sflag:$0x1] =	stream.indirect_vreg.gather [hbm4b:s1+s5], $0x80, v20, vm0, $0xb8;
	[tilespmem:$0x1E180] =	vst v63  }
0x5c: {  	s13 =	simm.s32 $0x3900;
	v19 =	vadd.s32 v17, v19  }
0x5d: {  	[tilespmem:s13], [sflag:$0x1] =	stream.indirect_vreg.gather [hbm4b:s25+s5], $0x80, v20, vm0, $0xb8;
	[tilespmem:$0x1E180] =	vst v63  }
0x5e: {  	s4 =	simm.s32 $0x4100  }
0x5f: {  	[tilespmem:s4], [sflag:$0x1] =	stream.indirect_vreg.gather [hbm4b:s26+s5], $0x80, v20, vm0, $0xb8;
	[tilespmem:$0x1E180] =	vst v63  }
0x60: {  	s9 =	simm.s32 $0x4900  }
0x61: {  	[tilespmem:s9], [sflag:$0x1] =	stream.indirect_vreg.gather [hbm4b:s1+s5], $0x80, v19, vm0, $0xb8;
	[tilespmem:$0x1E180] =	vst v63  }
0x62: {  	_ = 	snop  }
0x63: {  	[tilespmem:s28], [sflag:$0x1] =	stream.indirect_vreg.gather [hbm4b:s25+s5], $0x80, v19, vm0, $0xb8;
	[tilespmem:$0x1E180] =	vst v63  }
0x64: {  	_ = 	snop  }
0x65: {  	[tilespmem:s21], [sflag:$0x1] =	stream.indirect_vreg.gather [hbm4b:s26+s5], $0x80, v19, vm0, $0xb8;
	[tilespmem:$0x1E180] =	vst v63  }
0x66: {  	v19 =	vld [tilespmem:$0x20];
	_ =	sdelay $0x4  }
0x67: {  	v20 =	vshrl.u32 v19, $0x3  }
0x68: {  	v20 =	vmul.u32 $0x30, v20  }
0x69: {  	v19 =	vand.u32 $0x7, v19  }
0x6a: {  	v19 =	vor.u32 v19, v20  }
0x6b: {  	v20 =	vperm.xlane v19, v16;
	_ =	sdelay $0x1  }
0x6c: {  	v20 =	vadd.s32 v17, v20;
	_ =	sdelay $0x3  }
0x6d: {  	s2 =	simm.s32 $0x6100;
	v19 =	vperm.xlane v19, v18  }
0x6e: {  	[tilespmem:s2], [sflag:$0x2] =	stream.indirect_vreg.gather [hbm4b:s1+s5], $0x80, v20, vm0, $0xb8;
	[tilespmem:$0x1E180] =	vst v63  }
0x6f: {  	v19 =	vadd.s32 v17, v19  }
0x70: {  	[tilespmem:s22], [sflag:$0x2] =	stream.indirect_vreg.gather [hbm4b:s25+s5], $0x80, v20, vm0, $0xb8;
	[tilespmem:$0x1E180] =	vst v63  }
0x71: {  	_ = 	snop  }
0x72: {  	[tilespmem:s23], [sflag:$0x2] =	stream.indirect_vreg.gather [hbm4b:s26+s5], $0x80, v20, vm0, $0xb8;
	[tilespmem:$0x1E180] =	vst v63  }
0x73: {  	s2 =	simm.s32 $0x7900  }
0x74: {  	[tilespmem:s2], [sflag:$0x2] =	stream.indirect_vreg.gather [hbm4b:s1+s5], $0x80, v19, vm0, $0xb8;
	[tilespmem:$0x1E180] =	vst v63  }
0x75: {  	_ = 	snop  }
0x76: {  	[tilespmem:s15], [sflag:$0x2] =	stream.indirect_vreg.gather [hbm4b:s25+s5], $0x80, v19, vm0, $0xb8;
	[tilespmem:$0x1E180] =	vst v63  }
0x77: {  	_ = 	snop  }
0x78: {  	[tilespmem:s16], [sflag:$0x2] =	stream.indirect_vreg.gather [hbm4b:s26+s5], $0x80, v19, vm0, $0xb8;
	[tilespmem:$0x1E180] =	vst v63  }
0x79: {  	v19 =	vld [tilespmem:$0x30];
	_ =	sdelay $0x4  }
0x7a: {  	v20 =	vshrl.u32 v19, $0x3  }
0x7b: {  	v20 =	vmul.u32 $0x30, v20  }
0x7c: {  	v19 =	vand.u32 $0x7, v19  }
0x7d: {  	v19 =	vor.u32 v19, v20  }
0x7e: {  	v20 =	vperm.xlane v19, v16;
	_ =	sdelay $0x1  }
0x7f: {  	v20 =	vadd.s32 v17, v20;
	_ =	sdelay $0x3  }
0x80: {  	v19 =	vperm.xlane v19, v18  }
0x81: {  	[tilespmem:s17], [sflag:$0x2] =	stream.indirect_vreg.gather [hbm4b:s1+s5], $0x80, v20, vm0, $0xb8;
	[tilespmem:$0x1E180] =	vst v63  }
0x82: {  	s14 =	simm.s32 $0x9900;
	v19 =	vadd.s32 v17, v19  }
0x83: {  	[tilespmem:s14], [sflag:$0x2] =	stream.indirect_vreg.gather [hbm4b:s25+s5], $0x80, v20, vm0, $0xb8;
	[tilespmem:$0x1E180] =	vst v63  }
0x84: {  	s14 =	simm.s32 $0xA100  }
0x85: {  	[tilespmem:s14], [sflag:$0x2] =	stream.indirect_vreg.gather [hbm4b:s26+s5], $0x80, v20, vm0, $0xb8;
	[tilespmem:$0x1E180] =	vst v63  }
0x86: {  	s14 =	simm.s32 $0xA900  }
0x87: {  	[tilespmem:s14], [sflag:$0x2] =	stream.indirect_vreg.gather [hbm4b:s1+s5], $0x80, v19, vm0, $0xb8;
	[tilespmem:$0x1E180] =	vst v63  }
0x88: {  	s14 =	simm.s32 $0xB100  }
0x89: {  	[tilespmem:s14], [sflag:$0x2] =	stream.indirect_vreg.gather [hbm4b:s25+s5], $0x80, v19, vm0, $0xb8;
	[tilespmem:$0x1E180] =	vst v63  }
0x8a: {  	s14 =	simm.s32 $0xB900  }
0x8b: {  	[tilespmem:s14], [sflag:$0x2] =	stream.indirect_vreg.gather [hbm4b:s26+s5], $0x80, v19, vm0, $0xb8;
	[tilespmem:$0x1E180] =	vst v63  }
0x8c: {  	v19 =	vld [tilespmem:$0x40];
	_ =	sdelay $0x4  }
0x8d: {  	v20 =	vshrl.u32 v19, $0x3  }
0x8e: {  	v20 =	vmul.u32 $0x30, v20  }
0x8f: {  	v19 =	vand.u32 $0x7, v19  }
0x90: {  	v19 =	vor.u32 v19, v20  }
0x91: {  	v20 =	vperm.xlane v19, v16;
	_ =	sdelay $0x1  }
0x92: {  	v20 =	vadd.s32 v17, v20;
	_ =	sdelay $0x3  }
0x93: {  	s3 =	simm.s32 $0xC100;
	v19 =	vperm.xlane v19, v18  }
0x94: {  	[tilespmem:s3], [sflag:$0x3] =	stream.indirect_vreg.gather [hbm4b:s1+s5], $0x80, v20, vm0, $0xb8;
	[tilespmem:$0x1E180] =	vst v63  }
0x95: {  	s14 =	simm.s32 $0xC900;
	v19 =	vadd.s32 v17, v19  }
0x96: {  	[tilespmem:s14], [sflag:$0x3] =	stream.indirect_vreg.gather [hbm4b:s25+s5], $0x80, v20, vm0, $0xb8;
	[tilespmem:$0x1E180] =	vst v63  }
0x97: {  	s14 =	simm.s32 $0xD100  }
0x98: {  	[tilespmem:s14], [sflag:$0x3] =	stream.indirect_vreg.gather [hbm4b:s26+s5], $0x80, v20, vm0, $0xb8;
	[tilespmem:$0x1E180] =	vst v63  }
0x99: {  	s14 =	simm.s32 $0xD900  }
0x9a: {  	[tilespmem:s14], [sflag:$0x3] =	stream.indirect_vreg.gather [hbm4b:s1+s5], $0x80, v19, vm0, $0xb8;
	[tilespmem:$0x1E180] =	vst v63  }
0x9b: {  	s14 =	simm.s32 $0xE100  }
0x9c: {  	[tilespmem:s14], [sflag:$0x3] =	stream.indirect_vreg.gather [hbm4b:s25+s5], $0x80, v19, vm0, $0xb8;
	[tilespmem:$0x1E180] =	vst v63  }
0x9d: {  	s14 =	simm.s32 $0xE900  }
0x9e: {  	[tilespmem:s14], [sflag:$0x3] =	stream.indirect_vreg.gather [hbm4b:s26+s5], $0x80, v19, vm0, $0xb8;
	[tilespmem:$0x1E180] =	vst v63  }
0x9f: {  	v19 =	vld [tilespmem:$0x50];
	_ =	sdelay $0x4  }
0xa0: {  	v20 =	vshrl.u32 v19, $0x3  }
0xa1: {  	v20 =	vmul.u32 $0x30, v20  }
0xa2: {  	v19 =	vand.u32 $0x7, v19  }
0xa3: {  	v19 =	vor.u32 v19, v20  }
0xa4: {  	v20 =	vperm.xlane v19, v16;
	_ =	sdelay $0x1  }
0xa5: {  	v20 =	vadd.s32 v17, v20;
	_ =	sdelay $0x3  }
0xa6: {  	s14 =	simm.s32 $0xF100;
	v19 =	vperm.xlane v19, v18  }
0xa7: {  	[tilespmem:s14], [sflag:$0x3] =	stream.indirect_vreg.gather [hbm4b:s1+s5], $0x80, v20, vm0, $0xb8;
	[tilespmem:$0x1E180] =	vst v63  }
0xa8: {  	v19 =	vadd.s32 v17, v19;
	s14 =	simm.s32 $0xF900  }
0xa9: {  	[tilespmem:s14], [sflag:$0x3] =	stream.indirect_vreg.gather [hbm4b:s25+s5], $0x80, v20, vm0, $0xb8;
	[tilespmem:$0x1E180] =	vst v63  }
0xaa: {  	s14 =	simm.s32 $0x10100  }
0xab: {  	[tilespmem:s14], [sflag:$0x3] =	stream.indirect_vreg.gather [hbm4b:s26+s5], $0x80, v20, vm0, $0xb8;
	[tilespmem:$0x1E180] =	vst v63  }
0xac: {  	s14 =	simm.s32 $0x10900  }
0xad: {  	[tilespmem:s14], [sflag:$0x3] =	stream.indirect_vreg.gather [hbm4b:s1+s5], $0x80, v19, vm0, $0xb8;
	[tilespmem:$0x1E180] =	vst v63  }
0xae: {  	s14 =	simm.s32 $0x11100  }
0xaf: {  	[tilespmem:s14], [sflag:$0x3] =	stream.indirect_vreg.gather [hbm4b:s25+s5], $0x80, v19, vm0, $0xb8;
	[tilespmem:$0x1E180] =	vst v63  }
0xb0: {  	s3 =	simm.s32 $0x11900  }
0xb1: {  	[tilespmem:s3], [sflag:$0x3] =	stream.indirect_vreg.gather [hbm4b:s26+s5], $0x80, v19, vm0, $0xb8;
	[tilespmem:$0x1E180] =	vst v63  }
0xb2: {  	v19 =	vld [tilespmem:$0x60];
	_ =	sdelay $0x4  }
0xb3: {  	v20 =	vshrl.u32 v19, $0x3  }
0xb4: {  	v20 =	vmul.u32 $0x30, v20  }
0xb5: {  	v19 =	vand.u32 $0x7, v19  }
0xb6: {  	v19 =	vor.u32 v19, v20  }
0xb7: {  	v20 =	vperm.xlane v19, v16;
	_ =	sdelay $0x1  }
0xb8: {  	v20 =	vadd.s32 v17, v20;
	_ =	sdelay $0x3  }
0xb9: {  	v19 =	vperm.xlane v19, v18  }
0xba: {  	[tilespmem:s18], [sflag:$0x4] =	stream.indirect_vreg.gather [hbm4b:s1+s5], $0x80, v20, vm0, $0xb8;
	[tilespmem:$0x1E180] =	vst v63  }
0xbb: {  	s14 =	simm.s32 $0x12900;
	v19 =	vadd.s32 v17, v19  }
0xbc: {  	[tilespmem:s14], [sflag:$0x4] =	stream.indirect_vreg.gather [hbm4b:s25+s5], $0x80, v20, vm0, $0xb8;
	[tilespmem:$0x1E180] =	vst v63  }
0xbd: {  	s14 =	simm.s32 $0x13100  }
0xbe: {  	[tilespmem:s14], [sflag:$0x4] =	stream.indirect_vreg.gather [hbm4b:s26+s5], $0x80, v20, vm0, $0xb8;
	[tilespmem:$0x1E180] =	vst v63  }
0xbf: {  	s14 =	simm.s32 $0x13900  }
0xc0: {  	[tilespmem:s14], [sflag:$0x4] =	stream.indirect_vreg.gather [hbm4b:s1+s5], $0x80, v19, vm0, $0xb8;
	[tilespmem:$0x1E180] =	vst v63  }
0xc1: {  	s14 =	simm.s32 $0x14100  }
0xc2: {  	[tilespmem:s14], [sflag:$0x4] =	stream.indirect_vreg.gather [hbm4b:s25+s5], $0x80, v19, vm0, $0xb8;
	[tilespmem:$0x1E180] =	vst v63  }
0xc3: {  	s14 =	simm.s32 $0x14900  }
0xc4: {  	[tilespmem:s14], [sflag:$0x4] =	stream.indirect_vreg.gather [hbm4b:s26+s5], $0x80, v19, vm0, $0xb8;
	[tilespmem:$0x1E180] =	vst v63  }
0xc5: {  	v19 =	vld [tilespmem:$0x70];
	_ =	sdelay $0x4  }
0xc6: {  	v20 =	vshrl.u32 v19, $0x3  }
0xc7: {  	v20 =	vmul.u32 $0x30, v20  }
0xc8: {  	v19 =	vand.u32 $0x7, v19  }
0xc9: {  	v19 =	vor.u32 v19, v20  }
0xca: {  	v20 =	vperm.xlane v19, v16;
	_ =	sdelay $0x1  }
0xcb: {  	v20 =	vadd.s32 v17, v20;
	_ =	sdelay $0x3  }
0xcc: {  	s14 =	simm.s32 $0x15100;
	v19 =	vperm.xlane v19, v18  }
0xcd: {  	[tilespmem:s14], [sflag:$0x4] =	stream.indirect_vreg.gather [hbm4b:s1+s5], $0x80, v20, vm0, $0xb8;
	[tilespmem:$0x1E180] =	vst v63  }
0xce: {  	v19 =	vadd.s32 v17, v19;
	s14 =	simm.s32 $0x15900  }
0xcf: {  	[tilespmem:s14], [sflag:$0x4] =	stream.indirect_vreg.gather [hbm4b:s25+s5], $0x80, v20, vm0, $0xb8;
	[tilespmem:$0x1E180] =	vst v63  }
0xd0: {  	s14 =	simm.s32 $0x16100  }
0xd1: {  	[tilespmem:s14], [sflag:$0x4] =	stream.indirect_vreg.gather [hbm4b:s26+s5], $0x80, v20, vm0, $0xb8;
	[tilespmem:$0x1E180] =	vst v63  }
0xd2: {  	s14 =	simm.s32 $0x16900  }
0xd3: {  	[tilespmem:s14], [sflag:$0x4] =	stream.indirect_vreg.gather [hbm4b:s1+s5], $0x80, v19, vm0, $0xb8;
	[tilespmem:$0x1E180] =	vst v63  }
0xd4: {  	s14 =	simm.s32 $0x17100  }
0xd5: {  	[tilespmem:s14], [sflag:$0x4] =	stream.indirect_vreg.gather [hbm4b:s25+s5], $0x80, v19, vm0, $0xb8;
	[tilespmem:$0x1E180] =	vst v63  }
0xd6: {  	s14 =	simm.s32 $0x17900  }
0xd7: {  	[tilespmem:s14], [sflag:$0x4] =	stream.indirect_vreg.gather [hbm4b:s26+s5], $0x80, v19, vm0, $0xb8;
	[tilespmem:$0x1E180] =	vst v63  }
0xd8: {  	v19 =	vld [tilespmem:$0x80];
	_ =	sdelay $0x4  }
0xd9: {  	v20 =	vshrl.u32 v19, $0x3  }
0xda: {  	v20 =	vmul.u32 $0x30, v20  }
0xdb: {  	v19 =	vand.u32 $0x7, v19  }
0xdc: {  	v19 =	vor.u32 v19, v20  }
0xdd: {  	v20 =	vperm.xlane v19, v16;
	_ =	sdelay $0x1  }
0xde: {  	v20 =	vadd.s32 v17, v20;
	_ =	sdelay $0x3  }
0xdf: {  	s18 =	simm.s32 $0x18100;
	v19 =	vperm.xlane v19, v18  }
0xe0: {  	[tilespmem:s18], [sflag:$0x5] =	stream.indirect_vreg.gather [hbm4b:s1+s5], $0x80, v20, vm0, $0xb8;
	[tilespmem:$0x1E180] =	vst v63  }
0xe1: {  	v19 =	vadd.s32 v17, v19;
	s18 =	simm.s32 $0x18900  }
0xe2: {  	[tilespmem:s18], [sflag:$0x5] =	stream.indirect_vreg.gather [hbm4b:s25+s5], $0x80, v20, vm0, $0xb8;
	[tilespmem:$0x1E180] =	vst v63  }
0xe3: {  	s18 =	simm.s32 $0x19100  }
0xe4: {  	[tilespmem:s18], [sflag:$0x5] =	stream.indirect_vreg.gather [hbm4b:s26+s5], $0x80, v20, vm0, $0xb8;
	[tilespmem:$0x1E180] =	vst v63  }
0xe5: {  	s18 =	simm.s32 $0x19900  }
0xe6: {  	[tilespmem:s18], [sflag:$0x5] =	stream.indirect_vreg.gather [hbm4b:s1+s5], $0x80, v19, vm0, $0xb8;
	[tilespmem:$0x1E180] =	vst v63  }
0xe7: {  	s18 =	simm.s32 $0x1A100  }
0xe8: {  	[tilespmem:s18], [sflag:$0x5] =	stream.indirect_vreg.gather [hbm4b:s25+s5], $0x80, v19, vm0, $0xb8;
	[tilespmem:$0x1E180] =	vst v63  }
0xe9: {  	s18 =	simm.s32 $0x1A900  }
0xea: {  	[tilespmem:s18], [sflag:$0x5] =	stream.indirect_vreg.gather [hbm4b:s26+s5], $0x80, v19, vm0, $0xb8;
	[tilespmem:$0x1E180] =	vst v63  }
0xeb: {  	v19 =	vld [tilespmem:$0x90];
	_ =	sdelay $0x4  }
0xec: {  	v20 =	vshrl.u32 v19, $0x3  }
0xed: {  	v20 =	vmul.u32 $0x30, v20  }
0xee: {  	v19 =	vand.u32 $0x7, v19  }
0xef: {  	v19 =	vor.u32 v19, v20  }
0xf0: {  	v20 =	vperm.xlane v19, v16;
	_ =	sdelay $0x1  }
0xf1: {  	v20 =	vadd.s32 v17, v20;
	_ =	sdelay $0x3  }
0xf2: {  	s18 =	simm.s32 $0x1B100;
	v19 =	vperm.xlane v19, v18  }
0xf3: {  	[tilespmem:s18], [sflag:$0x5] =	stream.indirect_vreg.gather [hbm4b:s1+s5], $0x80, v20, vm0, $0xb8;
	[tilespmem:$0x1E180] =	vst v63  }
0xf4: {  	v19 =	vadd.s32 v17, v19;
	s18 =	simm.s32 $0x1B900  }
0xf5: {  	[tilespmem:s18], [sflag:$0x5] =	stream.indirect_vreg.gather [hbm4b:s25+s5], $0x80, v20, vm0, $0xb8;
	[tilespmem:$0x1E180] =	vst v63  }
0xf6: {  	s18 =	simm.s32 $0x1C100  }
0xf7: {  	[tilespmem:s18], [sflag:$0x5] =	stream.indirect_vreg.gather [hbm4b:s26+s5], $0x80, v20, vm0, $0xb8;
	[tilespmem:$0x1E180] =	vst v63  }
0xf8: {  	s18 =	simm.s32 $0x1C900  }
0xf9: {  	[tilespmem:s18], [sflag:$0x5] =	stream.indirect_vreg.gather [hbm4b:s1+s5], $0x80, v19, vm0, $0xb8;
	[tilespmem:$0x1E180] =	vst v63  }
0xfa: {  	s18 =	simm.s32 $0x1D100  }
0xfb: {  	[tilespmem:s18], [sflag:$0x5] =	stream.indirect_vreg.gather [hbm4b:s25+s5], $0x80, v19, vm0, $0xb8;
	[tilespmem:$0x1E180] =	vst v63  }
0xfc: {  	s18 =	simm.s32 $0x1D900  }
0xfd: {  	[tilespmem:s18], [sflag:$0x5] =	stream.indirect_vreg.gather [hbm4b:s26+s5], $0x80, v19, vm0, $0xb8;
	[tilespmem:$0x1E180] =	vst v63  }
0xfe: {  	_ =	swait.ge [sflag:s29], $0x6000  }
0xff: {  	[sflag:s29] =	ssyncset.done $0x0  }
0x100: {  	s14 =	simm.s32 $0x100;
	s18 =	rddreg [dreg:$0x1a];
	[sflag:s29] =	ssyncadd.s32 $0xFFFFA000  }
0x101: {  	[hbm4b:s18+s5] =	stream.linear.scatter [tilespmem:s14], [sflag:$0x6], $0x6000, $0x38;
	[tilespmem:$0x1E180] =	vst v63  }
0x102: {  	_ =	swait.ge [sflag:s30], $0x6000  }
0x103: {  	[sflag:s30] =	ssyncset.done $0x0  }
0x104: {  	[sflag:s30] =	ssyncadd.s32 $0xFFFFA000  }
0x105: {  	v19 =	vld [tilespmem:$0xA0];
	_ =	sdelay $0x4  }
0x106: {  	v20 =	vshrl.u32 v19, $0x3  }
0x107: {  	v20 =	vmul.u32 $0x30, v20  }
0x108: {  	v19 =	vand.u32 $0x7, v19  }
0x109: {  	v19 =	vor.u32 v19, v20  }
0x10a: {  	v20 =	vperm.xlane v19, v16;
	_ =	sdelay $0x1  }
0x10b: {  	v20 =	vadd.s32 v17, v20;
	_ =	sdelay $0x3  }
0x10c: {  	v19 =	vperm.xlane v19, v18  }
0x10d: {  	[tilespmem:s14], [sflag:$0x1] =	stream.indirect_vreg.gather [hbm4b:s1+s5], $0x80, v20, vm0, $0xb8;
	[tilespmem:$0x1E180] =	vst v63  }
0x10e: {  	v19 =	vadd.s32 v17, v19  }
0x10f: {  	[tilespmem:s6], [sflag:$0x1] =	stream.indirect_vreg.gather [hbm4b:s25+s5], $0x80, v20, vm0, $0xb8;
	[tilespmem:$0x1E180] =	vst v63  }
0x110: {  	_ = 	snop  }
0x111: {  	[tilespmem:s7], [sflag:$0x1] =	stream.indirect_vreg.gather [hbm4b:s26+s5], $0x80, v20, vm0, $0xb8;
	[tilespmem:$0x1E180] =	vst v63  }
0x112: {  	_ = 	snop  }
0x113: {  	[tilespmem:s8], [sflag:$0x1] =	stream.indirect_vreg.gather [hbm4b:s1+s5], $0x80, v19, vm0, $0xb8;
	[tilespmem:$0x1E180] =	vst v63  }
0x114: {  	_ = 	snop  }
0x115: {  	[tilespmem:s10], [sflag:$0x1] =	stream.indirect_vreg.gather [hbm4b:s25+s5], $0x80, v19, vm0, $0xb8;
	[tilespmem:$0x1E180] =	vst v63  }
0x116: {  	_ = 	snop  }
0x117: {  	[tilespmem:s12], [sflag:$0x1] =	stream.indirect_vreg.gather [hbm4b:s26+s5], $0x80, v19, vm0, $0xb8;
	[tilespmem:$0x1E180] =	vst v63  }
0x118: {  	v19 =	vld [tilespmem:$0xB0];
	_ =	sdelay $0x4  }
0x119: {  	v20 =	vshrl.u32 v19, $0x3  }
0x11a: {  	v20 =	vmul.u32 $0x30, v20  }
0x11b: {  	v19 =	vand.u32 $0x7, v19  }
0x11c: {  	v19 =	vor.u32 v19, v20  }
0x11d: {  	v20 =	vperm.xlane v19, v16;
	_ =	sdelay $0x1  }
0x11e: {  	v20 =	vadd.s32 v17, v20;
	_ =	sdelay $0x3  }
0x11f: {  	v19 =	vperm.xlane v19, v18  }
0x120: {  	[tilespmem:s11], [sflag:$0x1] =	stream.indirect_vreg.gather [hbm4b:s1+s5], $0x80, v20, vm0, $0xb8;
	[tilespmem:$0x1E180] =	vst v63  }
0x121: {  	v19 =	vadd.s32 v17, v19  }
0x122: {  	[tilespmem:s13], [sflag:$0x1] =	stream.indirect_vreg.gather [hbm4b:s25+s5], $0x80, v20, vm0, $0xb8;
	[tilespmem:$0x1E180] =	vst v63  }
0x123: {  	_ = 	snop  }
0x124: {  	[tilespmem:s4], [sflag:$0x1] =	stream.indirect_vreg.gather [hbm4b:s26+s5], $0x80, v20, vm0, $0xb8;
	[tilespmem:$0x1E180] =	vst v63  }
0x125: {  	_ = 	snop  }
0x126: {  	[tilespmem:s9], [sflag:$0x1] =	stream.indirect_vreg.gather [hbm4b:s1+s5], $0x80, v19, vm0, $0xb8;
	[tilespmem:$0x1E180] =	vst v63  }
0x127: {  	_ = 	snop  }
0x128: {  	[tilespmem:s28], [sflag:$0x1] =	stream.indirect_vreg.gather [hbm4b:s25+s5], $0x80, v19, vm0, $0xb8;
	[tilespmem:$0x1E180] =	vst v63  }
0x129: {  	_ = 	snop  }
0x12a: {  	[tilespmem:s21], [sflag:$0x1] =	stream.indirect_vreg.gather [hbm4b:s26+s5], $0x80, v19, vm0, $0xb8;
	[tilespmem:$0x1E180] =	vst v63  }
0x12b: {  	_ =	swait.ge [sflag:s31], $0x6000  }
0x12c: {  	[sflag:s31] =	ssyncset.done $0x0  }
0x12d: {  	s11 =	simm.s32 $0x6100;
	s4 =	rddreg [dreg:$0x7];
	[sflag:s31] =	ssyncadd.s32 $0xFFFFA000  }
0x12e: {  	[hbm4b:s4+s5] =	stream.linear.scatter [tilespmem:s11], [sflag:$0x7], $0x6000, $0x38;
	[tilespmem:$0x1E180] =	vst v63  }
0x12f: {  	_ =	swait.ge [sflag:s0], $0x6000  }
0x130: {  	[sflag:s0] =	ssyncset.done $0x0  }
0x131: {  	[sflag:s0] =	ssyncadd.s32 $0xFFFFA000  }
0x132: {  	v19 =	vld [tilespmem:$0xC0];
	_ =	sdelay $0x4  }
0x133: {  	v20 =	vshrl.u32 v19, $0x3  }
0x134: {  	v20 =	vmul.u32 $0x30, v20  }
0x135: {  	v19 =	vand.u32 $0x7, v19  }
0x136: {  	v19 =	vor.u32 v19, v20  }
0x137: {  	v20 =	vperm.xlane v19, v16;
	_ =	sdelay $0x1  }
0x138: {  	v20 =	vadd.s32 v17, v20;
	_ =	sdelay $0x3  }
0x139: {  	v19 =	vperm.xlane v19, v18  }
0x13a: {  	[tilespmem:s11], [sflag:$0x2] =	stream.indirect_vreg.gather [hbm4b:s1+s5], $0x80, v20, vm0, $0xb8;
	[tilespmem:$0x1E180] =	vst v63  }
0x13b: {  	v19 =	vadd.s32 v17, v19  }
0x13c: {  	[tilespmem:s22], [sflag:$0x2] =	stream.indirect_vreg.gather [hbm4b:s25+s5], $0x80, v20, vm0, $0xb8;
	[tilespmem:$0x1E180] =	vst v63  }
0x13d: {  	_ = 	snop  }
0x13e: {  	[tilespmem:s23], [sflag:$0x2] =	stream.indirect_vreg.gather [hbm4b:s26+s5], $0x80, v20, vm0, $0xb8;
	[tilespmem:$0x1E180] =	vst v63  }
0x13f: {  	_ = 	snop  }
0x140: {  	[tilespmem:s2], [sflag:$0x2] =	stream.indirect_vreg.gather [hbm4b:s1+s5], $0x80, v19, vm0, $0xb8;
	[tilespmem:$0x1E180] =	vst v63  }
0x141: {  	_ = 	snop  }
0x142: {  	[tilespmem:s15], [sflag:$0x2] =	stream.indirect_vreg.gather [hbm4b:s25+s5], $0x80, v19, vm0, $0xb8;
	[tilespmem:$0x1E180] =	vst v63  }
0x143: {  	_ = 	snop  }
0x144: {  	[tilespmem:s16], [sflag:$0x2] =	stream.indirect_vreg.gather [hbm4b:s26+s5], $0x80, v19, vm0, $0xb8;
	[tilespmem:$0x1E180] =	vst v63  }
0x145: {  	v19 =	vld [tilespmem:$0xD0];
	_ =	sdelay $0x4  }
0x146: {  	v20 =	vshrl.u32 v19, $0x3  }
0x147: {  	v20 =	vmul.u32 $0x30, v20  }
0x148: {  	v19 =	vand.u32 $0x7, v19  }
0x149: {  	v19 =	vor.u32 v19, v20  }
0x14a: {  	v20 =	vperm.xlane v19, v16;
	_ =	sdelay $0x1  }
0x14b: {  	v20 =	vadd.s32 v17, v20;
	_ =	sdelay $0x3  }
0x14c: {  	v19 =	vperm.xlane v19, v18  }
0x14d: {  	[tilespmem:s17], [sflag:$0x2] =	stream.indirect_vreg.gather [hbm4b:s1+s5], $0x80, v20, vm0, $0xb8;
	[tilespmem:$0x1E180] =	vst v63  }
0x14e: {  	s6 =	simm.s32 $0x9900;
	v19 =	vadd.s32 v17, v19  }
0x14f: {  	[tilespmem:s6], [sflag:$0x2] =	stream.indirect_vreg.gather [hbm4b:s25+s5], $0x80, v20, vm0, $0xb8;
	[tilespmem:$0x1E180] =	vst v63  }
0x150: {  	s7 =	simm.s32 $0xA100  }
0x151: {  	[tilespmem:s7], [sflag:$0x2] =	stream.indirect_vreg.gather [hbm4b:s26+s5], $0x80, v20, vm0, $0xb8;
	[tilespmem:$0x1E180] =	vst v63  }
0x152: {  	s8 =	simm.s32 $0xA900  }
0x153: {  	[tilespmem:s8], [sflag:$0x2] =	stream.indirect_vreg.gather [hbm4b:s1+s5], $0x80, v19, vm0, $0xb8;
	[tilespmem:$0x1E180] =	vst v63  }
0x154: {  	s10 =	simm.s32 $0xB100  }
0x155: {  	[tilespmem:s10], [sflag:$0x2] =	stream.indirect_vreg.gather [hbm4b:s25+s5], $0x80, v19, vm0, $0xb8;
	[tilespmem:$0x1E180] =	vst v63  }
0x156: {  	s12 =	simm.s32 $0xB900  }
0x157: {  	[tilespmem:s12], [sflag:$0x2] =	stream.indirect_vreg.gather [hbm4b:s26+s5], $0x80, v19, vm0, $0xb8;
	[tilespmem:$0x1E180] =	vst v63  }
0x158: {  	_ =	swait.ge [sflag:s19], $0x6000  }
0x159: {  	[sflag:s19] =	ssyncset.done $0x0  }
0x15a: {  	s13 =	simm.s32 $0xC100;
	s4 =	rddreg [dreg:$0x9];
	[sflag:s19] =	ssyncadd.s32 $0xFFFFA000  }
0x15b: {  	[hbm4b:s4+s5] =	stream.linear.scatter [tilespmem:s13], [sflag:$0x8], $0x6000, $0x38;
	[tilespmem:$0x1E180] =	vst v63  }
0x15c: {  	_ =	swait.ge [sflag:s20], $0x6000  }
0x15d: {  	[sflag:s20] =	ssyncset.done $0x0  }
0x15e: {  	[sflag:s20] =	ssyncadd.s32 $0xFFFFA000  }
0x15f: {  	v19 =	vld [tilespmem:$0xE0];
	_ =	sdelay $0x4  }
0x160: {  	v20 =	vshrl.u32 v19, $0x3  }
0x161: {  	v20 =	vmul.u32 $0x30, v20  }
0x162: {  	v19 =	vand.u32 $0x7, v19  }
0x163: {  	v19 =	vor.u32 v19, v20  }
0x164: {  	v20 =	vperm.xlane v19, v16;
	_ =	sdelay $0x1  }
0x165: {  	v20 =	vadd.s32 v17, v20;
	_ =	sdelay $0x3  }
0x166: {  	v19 =	vperm.xlane v19, v18  }
0x167: {  	[tilespmem:s13], [sflag:$0x3] =	stream.indirect_vreg.gather [hbm4b:s1+s5], $0x80, v20, vm0, $0xb8;
	[tilespmem:$0x1E180] =	vst v63  }
0x168: {  	s7 =	simm.s32 $0xC900;
	v19 =	vadd.s32 v17, v19  }
0x169: {  	[tilespmem:s7], [sflag:$0x3] =	stream.indirect_vreg.gather [hbm4b:s25+s5], $0x80, v20, vm0, $0xb8;
	[tilespmem:$0x1E180] =	vst v63  }
0x16a: {  	s8 =	simm.s32 $0xD100  }
0x16b: {  	[tilespmem:s8], [sflag:$0x3] =	stream.indirect_vreg.gather [hbm4b:s26+s5], $0x80, v20, vm0, $0xb8;
	[tilespmem:$0x1E180] =	vst v63  }
0x16c: {  	s10 =	simm.s32 $0xD900  }
0x16d: {  	[tilespmem:s10], [sflag:$0x3] =	stream.indirect_vreg.gather [hbm4b:s1+s5], $0x80, v19, vm0, $0xb8;
	[tilespmem:$0x1E180] =	vst v63  }
0x16e: {  	s12 =	simm.s32 $0xE100  }
0x16f: {  	[tilespmem:s12], [sflag:$0x3] =	stream.indirect_vreg.gather [hbm4b:s25+s5], $0x80, v19, vm0, $0xb8;
	[tilespmem:$0x1E180] =	vst v63  }
0x170: {  	s4 =	simm.s32 $0xE900  }
0x171: {  	[tilespmem:s4], [sflag:$0x3] =	stream.indirect_vreg.gather [hbm4b:s26+s5], $0x80, v19, vm0, $0xb8;
	[tilespmem:$0x1E180] =	vst v63  }
0x172: {  	v19 =	vld [tilespmem:$0xF0];
	_ =	sdelay $0x4  }
0x173: {  	v20 =	vshrl.u32 v19, $0x3  }
0x174: {  	v20 =	vmul.u32 $0x30, v20  }
0x175: {  	v19 =	vand.u32 $0x7, v19  }
0x176: {  	v19 =	vor.u32 v19, v20  }
0x177: {  	v20 =	vperm.xlane v19, v16;
	_ =	sdelay $0x1  }
0x178: {  	v20 =	vadd.s32 v17, v20;
	_ =	sdelay $0x3  }
0x179: {  	s6 =	simm.s32 $0xF100;
	v19 =	vperm.xlane v19, v18  }
0x17a: {  	[tilespmem:s6], [sflag:$0x3] =	stream.indirect_vreg.gather [hbm4b:s1+s5], $0x80, v20, vm0, $0xb8;
	[tilespmem:$0x1E180] =	vst v63  }
0x17b: {  	s7 =	simm.s32 $0xF900;
	v19 =	vadd.s32 v17, v19;
	s6 =	rddreg [dreg:$0xa]  }
0x17c: {  	[tilespmem:s7], [sflag:$0x3] =	stream.indirect_vreg.gather [hbm4b:s25+s5], $0x80, v20, vm0, $0xb8;
	[tilespmem:$0x1E180] =	vst v63  }
0x17d: {  	s8 =	simm.s32 $0x10100;
	s7 =	rddreg [dreg:$0x8]  }
0x17e: {  	[tilespmem:s8], [sflag:$0x3] =	stream.indirect_vreg.gather [hbm4b:s26+s5], $0x80, v20, vm0, $0xb8;
	[tilespmem:$0x1E180] =	vst v63  }
0x17f: {  	s10 =	simm.s32 $0x10900;
	s8 =	rddreg [dreg:$0x4]  }
0x180: {  	[tilespmem:s10], [sflag:$0x3] =	stream.indirect_vreg.gather [hbm4b:s1+s5], $0x80, v19, vm0, $0xb8;
	[tilespmem:$0x1E180] =	vst v63  }
0x181: {  	s12 =	simm.s32 $0x11100;
	s10 =	rddreg [dreg:$0x6]  }
0x182: {  	[tilespmem:s12], [sflag:$0x3] =	stream.indirect_vreg.gather [hbm4b:s25+s5], $0x80, v19, vm0, $0xb8;
	[tilespmem:$0x1E180] =	vst v63  }
0x183: {  	s18 =	simm.s32 $0x12100;
	s9 =	simm.s32 $0x18100;
	s12 =	rddreg [dreg:$0x5]  }
0x184: {  	[tilespmem:s3], [sflag:$0x3] =	stream.indirect_vreg.gather [hbm4b:s26+s5], $0x80, v19, vm0, $0xb8;
	[tilespmem:$0x1E180] =	vst v63  }
.LBB2_4:
0x185: {  	s4 =	simm.s32 $0x4  }
0x186: {  	_ =	swait.ge [sflag:s4], $0x6000  }
0x187: {  	[sflag:s4] =	ssyncset.done $0x0  }
0x188: {  	s2 =	rddreg [dreg:$0x2]  }
0x189: {  	[sflag:s4] =	ssyncadd.s32 $0xFFFFA000;
	s8 =	sadd.s32 s2, s8  }
0x18a: {  	[hbm4b:s8+s5] =	stream.linear.scatter [tilespmem:s18], [sflag:$0x9], $0x6000, $0x38;
	[tilespmem:$0x1E180] =	vst v63  }
0x18b: {  	s8 =	simm.s32 $0x5  }
0x18c: {  	_ =	swait.ge [sflag:s8], $0x6000  }
0x18d: {  	[sflag:s8] =	ssyncset.done $0x0  }
0x18e: {  	s3 =	sadd.s32 s2, s12;
	[sflag:s8] =	ssyncadd.s32 $0xFFFFA000  }
0x18f: {  	[hbm4b:s3+s5] =	stream.linear.scatter [tilespmem:s9], [sflag:$0xA], $0x6000, $0x38;
	[tilespmem:$0x1E180] =	vst v63  }
0x190: {  	_ =	swait.ge [sflag:s29], $0x6000  }
0x191: {  	[sflag:s29] =	ssyncset.done $0x0  }
0x192: {  	s4 =	sadd.s32 s2, s10;
	[sflag:s29] =	ssyncadd.s32 $0xFFFFA000  }
0x193: {  	[hbm4b:s4+s5] =	stream.linear.scatter [tilespmem:s14], [sflag:$0x6], $0x6000, $0x38;
	[tilespmem:$0x1E180] =	vst v63  }
0x194: {  	_ =	swait.ge [sflag:s31], $0x6000  }
0x195: {  	[sflag:s31] =	ssyncset.done $0x0  }
0x196: {  	s7 =	sadd.s32 s2, s7;
	[sflag:s31] =	ssyncadd.s32 $0xFFFFA000  }
0x197: {  	[hbm4b:s7+s5] =	stream.linear.scatter [tilespmem:s11], [sflag:$0x7], $0x6000, $0x38;
	[tilespmem:$0x1E180] =	vst v63  }
0x198: {  	_ =	swait.ge [sflag:s19], $0x6000  }
0x199: {  	[sflag:s19] =	ssyncset.done $0x0  }
0x19a: {  	s6 =	sadd.s32 s2, s6;
	s10 =	simm.s32 $0x9;
	[sflag:s19] =	ssyncadd.s32 $0xFFFFA000  }
0x19b: {  	[hbm4b:s6+s5] =	stream.linear.scatter [tilespmem:s13], [sflag:$0x8], $0x6000, $0x38;
	[tilespmem:$0x1E180] =	vst v63  }
0x19c: {  	_ =	swait.ge [sflag:s10], $0x6000  }
0x19d: {  	[sflag:s10] =	ssyncset.done $0x0  }
0x19e: {  	s12 =	simm.s32 $0xA;
	[sflag:s10] =	ssyncadd.s32 $0xFFFFA000  }
0x19f: {  	_ =	swait.ge [sflag:s12], $0x6000  }
0x1a0: {  	[sflag:s12] =	ssyncset.done $0x0  }
0x1a1: {  	[sflag:s12] =	ssyncadd.s32 $0xFFFFA000  }
0x1a2: {  	_ =	swait.ge [sflag:s30], $0x6000  }
0x1a3: {  	[sflag:s30] =	ssyncset.done $0x0  }
0x1a4: {  	s24 =	sadd.s32 $0xFFFFFFFF, s24;
	[sflag:s30] =	ssyncadd.s32 $0xFFFFA000  }
0x1a5: {  	p0 =	sne.s32 s24, $0x0;
	_ =	swait.ge [sflag:s0], $0x6000  }
.Ltmp1:
0x1a6: {  	[sflag:s0] =	ssyncset.done $0x0;
	(pc) =	sbr.rel @!p0 .LBB2_5-.Ltmp1, $4  }
0x1a7: {  	[sflag:s0] =	ssyncadd.s32 $0xFFFFA000  }
0x1a8: {  	_ =	swait.ge [sflag:s20], $0x6000  }
0x1a9: {  	[sflag:s20] =	ssyncset.done $0x0  }
0x1aa: {  	[sflag:s20] =	ssyncadd.s32 $0xFFFFA000  }
.LBB2_1:
0x1ab: {  	s6 =	rddreg [dreg:$0x1];
	s7 =	simm.s32 $0x1E100;
	s4 =	simm.s32 $0xB  }
0x1ac: {  	[tilespmem:s7], [sflag:$0xB] =	stream.linear.gather [hbm4b:s6+s5], $0x1, $0x38;
	[tilespmem:$0x1E180] =	vst v63  }
0x1ad: {  	_ =	swait.ge [sflag:s4], $0x1  }
0x1ae: {  	[sflag:s4] =	ssyncset.done $0x0  }
0x1af: {  	[sflag:s4] =	ssyncadd.s32 $0xFFFFFFFF  }
0x1b0: {  	v19 =	vld [tilespmem:$0x1E100];
	_ =	sdelay $0x4  }
0x1b1: {  	(v2sf) =	vpush v19, $0x0;
	_ =	sdelay $0xe  }
0x1b2: {  	s12 =	spop (v2sf)  }
0x1b3: {  	s6 =	sadd.s32 $0xFFFFE000, s12  }
0x1b4: {  	p0 =	sne.s32 s6, $0x0  }
.Ltmp2:
0x1b5: {  	_ = 	snop;
	(pc) =	sbr.rel @p0 .LBB2_3-.Ltmp2, $1  }
0x1b6: {  	_ =	sdelay $0x3  }
0x1b7: {  	s6 =	rddreg [dreg:$0xb]  }
0x1b8: {  	[tilespmem:s14], [sflag:$0x1] =	stream.linear.gather [hbm4b:s6+s5], $0x6000, $0x38;
	[tilespmem:$0x1E180] =	vst v63  }
0x1b9: {  	s10 =	rddreg [dreg:$0xc]  }
0x1ba: {  	[tilespmem:s11], [sflag:$0x2] =	stream.linear.gather [hbm4b:s10+s5], $0x6000, $0x38;
	[tilespmem:$0x1E180] =	vst v63  }
0x1bb: {  	s12 =	rddreg [dreg:$0xe]  }
0x1bc: {  	[tilespmem:s13], [sflag:$0x3] =	stream.linear.gather [hbm4b:s12+s5], $0x6000, $0x38;
	[tilespmem:$0x1E180] =	vst v63  }
0x1bd: {  	s2 =	rddreg [dreg:$0x15]  }
0x1be: {  	[tilespmem:s18], [sflag:$0x4] =	stream.linear.gather [hbm4b:s2+s5], $0x6000, $0x38;
	[tilespmem:$0x1E180] =	vst v63  }
0x1bf: {  	s3 =	rddreg [dreg:$0x16]  }
0x1c0: {  	[tilespmem:s9], [sflag:$0x5] =	stream.linear.gather [hbm4b:s3+s5], $0x6000, $0x38;
	[tilespmem:$0x1E180] =	vst v63  }
0x1c1: {  	_ =	swait.ge [sflag:s29], $0x6000  }
0x1c2: {  	[sflag:s29] =	ssyncset.done $0x0  }
0x1c3: {  	s4 =	rddreg [dreg:$0x1a];
	[sflag:s29] =	ssyncadd.s32 $0xFFFFA000  }
0x1c4: {  	[hbm4b:s4+s5] =	stream.linear.scatter [tilespmem:s14], [sflag:$0x6], $0x6000, $0x38;
	[tilespmem:$0x1E180] =	vst v63  }
0x1c5: {  	_ =	swait.ge [sflag:s30], $0x6000  }
0x1c6: {  	[sflag:s30] =	ssyncset.done $0x0  }
0x1c7: {  	s4 =	rddreg [dreg:$0x17];
	[sflag:s30] =	ssyncadd.s32 $0xFFFFA000  }
0x1c8: {  	[tilespmem:s14], [sflag:$0x1] =	stream.linear.gather [hbm4b:s4+s5], $0x6000, $0x38;
	[tilespmem:$0x1E180] =	vst v63  }
0x1c9: {  	_ =	swait.ge [sflag:s31], $0x6000  }
0x1ca: {  	[sflag:s31] =	ssyncset.done $0x0  }
0x1cb: {  	s7 =	rddreg [dreg:$0xd];
	[sflag:s31] =	ssyncadd.s32 $0xFFFFA000  }
0x1cc: {  	[hbm4b:s7+s5] =	stream.linear.scatter [tilespmem:s11], [sflag:$0x7], $0x6000, $0x38;
	[tilespmem:$0x1E180] =	vst v63  }
0x1cd: {  	_ =	swait.ge [sflag:s0], $0x6000  }
0x1ce: {  	[sflag:s0] =	ssyncset.done $0x0  }
0x1cf: {  	s8 =	rddreg [dreg:$0x18];
	[sflag:s0] =	ssyncadd.s32 $0xFFFFA000  }
0x1d0: {  	[tilespmem:s11], [sflag:$0x2] =	stream.linear.gather [hbm4b:s8+s5], $0x6000, $0x38;
	[tilespmem:$0x1E180] =	vst v63  }
0x1d1: {  	_ =	swait.ge [sflag:s19], $0x6000  }
0x1d2: {  	[sflag:s19] =	ssyncset.done $0x0  }
0x1d3: {  	s10 =	rddreg [dreg:$0xf];
	[sflag:s19] =	ssyncadd.s32 $0xFFFFA000  }
0x1d4: {  	[hbm4b:s10+s5] =	stream.linear.scatter [tilespmem:s13], [sflag:$0x8], $0x6000, $0x38;
	[tilespmem:$0x1E180] =	vst v63  }
0x1d5: {  	_ =	swait.ge [sflag:s20], $0x6000  }
0x1d6: {  	s12 =	rddreg [dreg:$0x19]  }
0x1d7: {  	s8 =	rddreg [dreg:$0x10]  }
.Ltmp3:
0x1d8: {  	s10 =	rddreg [dreg:$0x12];
	(pc) =	sbr.rel .LBB2_4-.Ltmp3, $4  }
0x1d9: {  	[sflag:s20] =	ssyncset.done $0x0;
	s7 =	rddreg [dreg:$0x13]  }
0x1da: {  	s6 =	rddreg [dreg:$0x14];
	[sflag:s20] =	ssyncadd.s32 $0xFFFFA000  }
0x1db: {  	[tilespmem:s13], [sflag:$0x3] =	stream.linear.gather [hbm4b:s12+s5], $0x6000, $0x38;
	[tilespmem:$0x1E180] =	vst v63  }
0x1dc: {  	s12 =	rddreg [dreg:$0x11]  }
.LBB2_5:
0x1dd: {  	_ =	sfence.sel $0x180000  }
0x1de: {  	[bflag:$0x0] =	sbarrier.arrive $0xFFFF  }
0x1df: {  	_ =	strace $0x90000047  }
0x1e0: {  	s0 =	stileid.u32;
	[bflag:$0x2] =	sbarrier.arrive $0xFFFF  }
0x1e1: {  	p0 =	sne.s32 s0, $0x0;
	s0 =	rddreg [dreg:$0x3]  }
0x1e2: {  	s0 =	sadd.s32 @!p0 $0x100000, s0  }
0x1e3: {  	[sflag:s0] =	ssyncadd.tile.s32 @!p0 $0x1;
	_ =	shalt  }
.Lfunc_end2:
_tile_overlayer_lowered:
.L_overlay_start_2:
0x1e4: {  	(tag) =	ssettag $0x2  }
0x1e5: {  	s0 =	rddreg [dreg:$0x0];
	s2 =	stileid.u32  }
0x1e6: {  	s1 =	rddreg [dreg:$0x1];
	p0 =	sne.s32 s2, $0x0  }
0x1e7: {  	s3 =	rddreg [dreg:$0x2];
	[bflag:$0x3] =	sbarrier.arrive $0xFFFF;
	s2 =	simm.s32 @!p0 $0x1C0B  }
0x1e8: {  	[timem:s3], [sflag:s2] =	dma.local @!p0 [hbm:s0], s1  }
0x1e9: {  	s0 =	simm.s32 @!p0 $0xB  }
0x1ea: {  	_ =	swait.ge @!p0 [sflag:s0], s1  }
0x1eb: {  	s1 =	ssub.s32 @!p0 $0x0, s1;
	[sflag:s0] =	ssyncset.done @!p0 $0x0  }
0x1ec: {  	[sflag:s0] =	ssyncadd.s32 @!p0 s1  }
0x1ed: {  	[bflag:$0x3] =	sbarrier.arrive $0xFFFF  }
0x1ee: {  	_ =	shalt  }

</sc_bundles>
